<compile_context>
chip_gen: v7x
topology: tpu7x:2x2x1
jax: 0.10.2.dev20260603
libtpu: 0.0.44.dev20260713+nightly
codegen_flags: <defaults>
</compile_context>

<pallas_src>
import functools

import jax
import jax.numpy as jnp
from jax import lax
from jax.experimental import pallas as pl
from jax.experimental.pallas import tpu as pltpu
from jax.experimental.pallas import tpu_sc as plsc

N_NODES = 10000
N_EDGES = 160000
N_EE = 640000
C = 128
CG = 16
NRBF = 64

NC = 2
NS = 16
NW = NC * NS

CHUNK = N_EE // NW
GB = 200

ROUNDS = 15
SEGR = 10752
NSEG_PAD = ROUNDS * SEGR
ACC_ROWS = 10880
DUMP = SEGR
KCAP = CHUNK + 480
TRASH = CHUNK + 352
FB = 128
JB = 32
CCH = 1344


def _sig(x):
    return 1.0 / (1.0 + jnp.exp(-x))



def _edge_pre_body(x_ref, g_ref, b_ref, wep_ref, bep_ref, weg_ref, beg_ref,
                   wog_ref, bog_ref, e2_ref, og_ref):
    x = x_ref[...]
    m = jnp.mean(x, axis=-1, keepdims=True)
    v = jnp.mean((x - m) * (x - m), axis=-1, keepdims=True)
    ef = (x - m) / jnp.sqrt(v + 1e-5) * g_ref[...] + b_ref[...]
    p = jnp.dot(ef, wep_ref[...], preferred_element_type=jnp.float32, precision=lax.Precision.HIGHEST) + bep_ref[...]
    gt = jnp.dot(ef, weg_ref[...], preferred_element_type=jnp.float32, precision=lax.Precision.HIGHEST) + beg_ref[...]
    e2_ref[...] = _sig(gt) * p
    o = jnp.dot(ef, wog_ref[...], preferred_element_type=jnp.float32, precision=lax.Precision.HIGHEST) + bog_ref[...]
    og_ref[...] = _sig(o)


def _edge_pre(ef, ln_g, ln_b, wep, bep, weg, beg, wog, bog):
    blk = 2000
    grid = (N_EDGES // blk,)
    full = lambda s: pl.BlockSpec(s, lambda i: (0, 0))
    return pl.pallas_call(
        _edge_pre_body,
        grid=grid,
        in_specs=[
            pl.BlockSpec((blk, C), lambda i: (i, 0)),
            full((1, C)), full((1, C)),
            full((C, C)), full((1, C)),
            full((C, C)), full((1, C)),
            full((C, C)), full((1, C)),
        ],
        out_specs=[pl.BlockSpec((blk, C), lambda i: (i, 0))] * 2,
        out_shape=[jax.ShapeDtypeStruct((N_EDGES, C), jnp.float32)] * 2,
    )(ef, ln_g, ln_b, wep, bep, weg, beg, wog, bog)



def _node_tables_body(xa_ref, w_ref, b_ref, nt_ref):
    xa = xa_ref[...]
    nt_ref[...] = jnp.dot(xa, w_ref[...], preferred_element_type=jnp.float32, precision=lax.Precision.HIGHEST) + b_ref[...]


def _node_tables(xa, w, b):
    blk = 1000
    grid = (N_NODES // blk,)
    full = lambda s: pl.BlockSpec(s, lambda i: (0, 0))
    return pl.pallas_call(
        _node_tables_body,
        grid=grid,
        in_specs=[
            pl.BlockSpec((blk, C + CG), lambda i: (i, 0)),
            full((C + CG, C)), full((1, C)),
        ],
        out_specs=pl.BlockSpec((blk, C), lambda i: (i, 0)),
        out_shape=jax.ShapeDtypeStruct((N_NODES, C), jnp.float32),
    )(xa, w, b)



def _pair_gather_body(nt_hbm, nid_hbm, ee1_hbm, idx0_hbm,
                      ab_hbm, eeb_v, idxb_v, n1_v, n2_v, g1_v, g2_v, ps_v,
                      semi, semg):
    cid = lax.axis_index("c")
    sid = lax.axis_index("s")
    wid = sid * NC + cid
    base = wid * CHUNK
    nbat = CHUNK // GB

    pltpu.async_copy(ee1_hbm.at[pl.ds(base, GB)], eeb_v.at[pl.ds(0, GB)], semi)
    pltpu.async_copy(idx0_hbm.at[pl.ds(base, GB)], idxb_v.at[pl.ds(0, GB)], semi)

    def batch(t, _):
        bo = lax.rem(t, 2) * GB
        off = base + t * GB
        pltpu.make_async_copy(ee1_hbm.at[pl.ds(base, GB)],
                              eeb_v.at[pl.ds(bo, GB)], semi).wait()
        pltpu.make_async_copy(idx0_hbm.at[pl.ds(base, GB)],
                              idxb_v.at[pl.ds(bo, GB)], semi).wait()
        c1 = pltpu.async_copy(nid_hbm.at[eeb_v.at[pl.ds(bo, GB)]], n1_v, semg)
        c2 = pltpu.async_copy(nid_hbm.at[idxb_v.at[pl.ds(bo, GB)]], n2_v, semg)
        @pl.when(t + 1 < nbat)
        def _():
            nxt = base + (t + 1) * GB
            nbo = lax.rem(t + 1, 2) * GB
            pltpu.async_copy(ee1_hbm.at[pl.ds(nxt, GB)],
                             eeb_v.at[pl.ds(nbo, GB)], semi)
            pltpu.async_copy(idx0_hbm.at[pl.ds(nxt, GB)],
                             idxb_v.at[pl.ds(nbo, GB)], semi)
        c1.wait()
        c2.wait()
        c3 = pltpu.async_copy(nt_hbm.at[n1_v], g1_v, semg)
        c4 = pltpu.async_copy(nt_hbm.at[n2_v], g2_v, semg)
        c3.wait()
        c4.wait()

        def comp(r, _):
            ps_v[r, pl.ds(0, CG)] = g1_v[r, pl.ds(0, CG)]
            ps_v[r, pl.ds(2 * CG, CG)] = g1_v[r, pl.ds(2 * CG, CG)]
            ps_v[r, pl.ds(CG, CG)] = g2_v[r, pl.ds(CG, CG)]
            ps_v[r, pl.ds(3 * CG, CG)] = g2_v[r, pl.ds(2 * CG, CG)]
            return 0
        lax.fori_loop(0, GB, comp, 0)

        pltpu.sync_copy(ps_v, ab_hbm.at[pl.ds(off, GB)])
        return 0

    lax.fori_loop(0, nbat, batch, 0)


def _pair_gather(nt, nid, ee1, idx0):
    mesh = plsc.VectorSubcoreMesh(core_axis_name="c", subcore_axis_name="s")
    f = pl.kernel(
        _pair_gather_body,
        out_type=jax.ShapeDtypeStruct((N_EE, 4 * CG), jnp.float32),
        mesh=mesh,
        scratch_types=[
            pltpu.VMEM((2 * GB,), jnp.int32),
            pltpu.VMEM((2 * GB,), jnp.int32),
            pltpu.VMEM((GB,), jnp.int32),
            pltpu.VMEM((GB,), jnp.int32),
            pltpu.VMEM((GB, C), jnp.float32),
            pltpu.VMEM((GB, C), jnp.float32),
            pltpu.VMEM((GB, 4 * CG), jnp.float32),
            pltpu.SemaphoreType.DMA,
            pltpu.SemaphoreType.DMA,
        ],
    )
    return f(nt, nid, ee1, idx0)



def _pair_math_body(ab_ref, e_ref, t_ref, wdg_ref, bdg_ref,
                    wdp_ref, bdp_ref, f_ref):
    AB = ab_ref[...]
    a = AB[:, 0:CG]
    b = AB[:, CG:2 * CG]
    ab = jnp.dot(a, e_ref[...], preferred_element_type=jnp.float32,
                 precision=lax.Precision.HIGHEST) * \
         jnp.dot(b, t_ref[...], preferred_element_type=jnp.float32,
                 precision=lax.Precision.HIGHEST)
    gate = jnp.dot(ab, wdg_ref[...], preferred_element_type=jnp.float32) + bdg_ref[...]
    diff = AB[:, 2 * CG:3 * CG] - AB[:, 3 * CG:4 * CG] + 1e-8
    d2 = jnp.sum(diff * diff, axis=1, keepdims=True)
    d = jnp.sqrt(d2)
    mu = lax.broadcasted_iota(jnp.int32, (1, NRBF), 1).astype(jnp.float32) * (
        20.0 / (NRBF - 1))
    z = (d - mu) * (NRBF / 20.0)
    rb = jnp.exp(-(z * z))
    distf = jnp.dot(rb, wdp_ref[...], preferred_element_type=jnp.float32, precision=lax.Precision.HIGHEST) + bdp_ref[...]
    f_ref[...] = _sig(gate) * distf


def _pair_math(AB, E, T, wdg, bdg, wdp, bdp):
    blk = 2000
    grid = (N_EE // blk,)
    full = lambda s: pl.BlockSpec(s, lambda i: (0, 0))
    return pl.pallas_call(
        _pair_math_body,
        grid=grid,
        in_specs=[
            pl.BlockSpec((blk, 4 * CG), lambda i: (i, 0)),
            full((CG, CG * CG)), full((CG, CG * CG)),
            full((CG * CG, C)), full((1, C)),
            full((NRBF, C)), full((1, C)),
        ],
        out_specs=pl.BlockSpec((blk, C), lambda i: (i, 0)),
        out_shape=jax.ShapeDtypeStruct((N_EE, C), jnp.float32),
    )(AB, E, T, wdg, bdg, wdp, bdp)



def _seg_scatter_body(f_hbm, idx_hbm, iota_hbm, zrows_hbm, s0_hbm, s1_hbm,
                      c0_hbm, c1_hbm,
                      idxb_v, klb_v, kb_v, posb_v, stage_v, slb_v, svb_v,
                      ones_v, zb1_v, cflush_v, kstrip_sh, acc_sh, cnt_sh,
                      semi, semf, semg):
    cid = lax.axis_index("c")
    sid = lax.axis_index("s")
    wid = sid * NC + cid
    base = wid * KCAP
    z16i = jnp.zeros((16,), jnp.int32)
    z16f = jnp.zeros((16,), jnp.float32)
    o16f = jnp.ones((16,), jnp.float32)
    IB = 16 * JB

    pltpu.sync_copy(iota_hbm.at[pl.ds(0, 16)], slb_v.at[pl.ds(0, 16)])
    iota16 = slb_v[pl.ds(0, 16)]
    slb_v[pl.ds(16, 16)] = z16i

    def zon(i, _):
        ones_v[pl.ds(i * 16, 16)] = o16f
        return 0
    lax.fori_loop(0, FB // 16, zon, 0)

    def zzb1(i, _):
        zb1_v[pl.ds(i * 16, 16)] = z16f
        return 0
    lax.fori_loop(0, CCH // 16, zzb1, 0)

    nbatch = KCAP // IB

    def round_body(r, _):
        lo = r * SEGR

        pltpu.sync_copy(zrows_hbm, acc_sh.at[pl.ds(sid * (ACC_ROWS // 16),
                                                   ACC_ROWS // 16)])

        @pl.when(sid == 0)
        def _():
            def zc(c2, _):
                pltpu.sync_copy(zb1_v, cnt_sh.at[pl.ds(c2 * CCH, CCH)])
                return 0
            lax.fori_loop(0, SEGR // CCH, zc, 0)

        plsc.subcore_barrier()

        sbase = sid * KCAP
        pltpu.async_copy(idx_hbm.at[pl.ds(base, IB)], idxb_v.at[0], semi)

        def scan_batch(bb, off):
            pltpu.make_async_copy(idx_hbm.at[pl.ds(base, IB)],
                                  idxb_v.at[lax.rem(bb, 2)], semi).wait()

            @pl.when(bb + 1 < nbatch)
            def _():
                pltpu.async_copy(
                    idx_hbm.at[pl.ds(base + (bb + 1) * IB, IB)],
                    idxb_v.at[lax.rem(bb + 1, 2)], semi)

            buf = lax.rem(bb, 2)

            def scan_vreg(j, off):
                seg = idxb_v[buf, pl.ds(j * 16, 16)]
                m = (seg >= lo) & (seg < lo + SEGR)
                mi = jnp.where(m, 1, 0)
                slb_v[pl.ds(32, 16)] = mi
                p = mi + slb_v[pl.ds(31, 16)]
                slb_v[pl.ds(32, 16)] = p
                p = p + slb_v[pl.ds(30, 16)]
                slb_v[pl.ds(32, 16)] = p
                p = p + slb_v[pl.ds(28, 16)]
                slb_v[pl.ds(32, 16)] = p
                p = p + slb_v[pl.ds(24, 16)]
                pos = jnp.where(m, (sbase + off - 1) + p, sbase + TRASH + iota16)
                kb_v[pl.ds(j * 16, 16)] = iota16 + (base + bb * IB + j * 16)
                posb_v[j // 8, pl.ds((j % 8) * 16, 16)] = pos
                return off + p[15]
            off = lax.fori_loop(0, JB, scan_vreg, off)

            cps = [pltpu.async_copy(kb_v.at[pl.ds(jr * 128, 128)],
                                    kstrip_sh.at[posb_v.at[jr]], semg)
                   for jr in range(JB // 8)]
            for c in cps:
                c.wait()
            return off

        n = lax.fori_loop(0, nbatch, scan_batch, 0)
        nb = lax.shift_right_logical(n + (FB - 1), 7)

        def add_batch(bb, _):
            @pl.when(bb < nb)
            def _():
                pltpu.sync_copy(kstrip_sh.at[pl.ds(sbase + bb * FB, FB)], klb_v)

                def clamp(g, _):
                    kv = klb_v[pl.ds(g * 16, 16)]
                    kv = jnp.minimum(jnp.maximum(kv, 0), N_EE - 1)
                    klb_v[pl.ds(g * 16, 16)] = kv
                    return 0
                lax.fori_loop(0, FB // 16, clamp, 0)

                cpf = pltpu.async_copy(f_hbm.at[klb_v], stage_v, semf)
                cpi = pltpu.async_copy(idx_hbm.at[klb_v],
                                       slb_v.at[pl.ds(64, FB)], semi)
                cpi.wait()

                def mksv(g, _):
                    jvec = iota16 + (bb * FB + g * 16)
                    slv = slb_v[pl.ds(64 + g * 16, 16)]
                    svb_v[pl.ds(g * 16, 16)] = jnp.where(jvec < n, slv - lo, DUMP)
                    return 0
                lax.fori_loop(0, FB // 16, mksv, 0)
                cpf.wait()
                pltpu.sync_copy(stage_v, acc_sh.at[svb_v], add=True)
                pltpu.sync_copy(ones_v, cnt_sh.at[svb_v], add=True)
            return 0

        lax.fori_loop(0, KCAP // FB, add_batch, 0)

        plsc.subcore_barrier()

        @pl.when(cid == 0)
        def _():
            pltpu.sync_copy(acc_sh.at[pl.ds(sid * (SEGR // 16), SEGR // 16)],
                            s0_hbm.at[pl.ds(lo + sid * (SEGR // 16), SEGR // 16)])

        @pl.when(cid == 1)
        def _():
            pltpu.sync_copy(acc_sh.at[pl.ds(sid * (SEGR // 16), SEGR // 16)],
                            s1_hbm.at[pl.ds(lo + sid * (SEGR // 16), SEGR // 16)])

        @pl.when((sid == 1) & (cid == 0))
        def _():
            def cf0(c2, _):
                pltpu.sync_copy(cnt_sh.at[pl.ds(c2 * CCH, CCH)], cflush_v)
                pltpu.sync_copy(cflush_v, c0_hbm.at[pl.ds(lo + c2 * CCH, CCH)])
                return 0
            lax.fori_loop(0, SEGR // CCH, cf0, 0)

        @pl.when((sid == 1) & (cid == 1))
        def _():
            def cf1(c2, _):
                pltpu.sync_copy(cnt_sh.at[pl.ds(c2 * CCH, CCH)], cflush_v)
                pltpu.sync_copy(cflush_v, c1_hbm.at[pl.ds(lo + c2 * CCH, CCH)])
                return 0
            lax.fori_loop(0, SEGR // CCH, cf1, 0)

        plsc.subcore_barrier()
        return 0

    lax.fori_loop(0, ROUNDS, round_body, 0)


def _seg_scatter(f, idx_pad, iota_in, zrows):
    mesh = plsc.VectorSubcoreMesh(core_axis_name="c", subcore_axis_name="s")
    fn = pl.kernel(
        _seg_scatter_body,
        out_type=[
            jax.ShapeDtypeStruct((NSEG_PAD, C), jnp.float32),
            jax.ShapeDtypeStruct((NSEG_PAD, C), jnp.float32),
            jax.ShapeDtypeStruct((NSEG_PAD,), jnp.float32),
            jax.ShapeDtypeStruct((NSEG_PAD,), jnp.float32),
        ],
        mesh=mesh,
        scratch_types=[
            pltpu.VMEM((2, 16 * JB), jnp.int32),
            pltpu.VMEM((FB,), jnp.int32),
            pltpu.VMEM((16 * JB,), jnp.int32),
            pltpu.VMEM((JB // 8, 128), jnp.int32),
            pltpu.VMEM((FB, C), jnp.float32),
            pltpu.VMEM((64 + FB,), jnp.int32),
            pltpu.VMEM((FB,), jnp.int32),
            pltpu.VMEM((FB,), jnp.float32),
            pltpu.VMEM((CCH,), jnp.float32),
            pltpu.VMEM((CCH,), jnp.float32),
            pltpu.VMEM_SHARED((NS * KCAP,), jnp.int32),
            pltpu.VMEM_SHARED((ACC_ROWS, C), jnp.float32),
            pltpu.VMEM_SHARED((ACC_ROWS,), jnp.float32),
            pltpu.SemaphoreType.DMA,
            pltpu.SemaphoreType.DMA,
            pltpu.SemaphoreType.DMA,
        ],
    )
    return fn(f, idx_pad, iota_in, zrows)



def _finalize_body(e2_ref, og_ref, s0_ref, s1_ref, c0_ref, c1_ref,
                   wlo_ref, blo_ref, out_ref):
    c = c0_ref[...] + c1_ref[...]
    c = jnp.where(c <= 0.0, 1.0, c)
    s = s0_ref[...] + s1_ref[...]
    upd = e2_ref[...] * s / jnp.sqrt(c)
    upd = jnp.dot(upd, wlo_ref[...], preferred_element_type=jnp.float32, precision=lax.Precision.HIGHEST) + blo_ref[...]
    out_ref[...] = upd * og_ref[...]


def _finalize(e2, og, S0, S1, c0, c1, wlo, blo):
    blk = 2000
    grid = (N_EDGES // blk,)
    full = lambda s: pl.BlockSpec(s, lambda i: (0, 0))
    return pl.pallas_call(
        _finalize_body,
        grid=grid,
        in_specs=[
            pl.BlockSpec((blk, C), lambda i: (i, 0)),
            pl.BlockSpec((blk, C), lambda i: (i, 0)),
            pl.BlockSpec((blk, C), lambda i: (i, 0)),
            pl.BlockSpec((blk, C), lambda i: (i, 0)),
            pl.BlockSpec((blk, 1), lambda i: (i, 0)),
            pl.BlockSpec((blk, 1), lambda i: (i, 0)),
            full((C, C)), full((1, C)),
        ],
        out_specs=pl.BlockSpec((blk, C), lambda i: (i, 0)),
        out_shape=jax.ShapeDtypeStruct((N_EDGES, C), jnp.float32),
    )(e2, og, S0, S1, c0, c1, wlo, blo)



def kernel(node_features, node_trans, edge_features, edge_index, edge_edge_index,
           ln_g, ln_b, w_nl, b_nl, w_nr, b_nr, w_ep, b_ep, w_eg, b_eg,
           w_dg, b_dg, w_dp, b_dp, w_lo, b_lo, w_og, b_og):
    f32 = jnp.float32
    nid = edge_index[0]
    idx0 = edge_edge_index[0]
    ee1 = edge_edge_index[1]

    e2, og = _edge_pre(edge_features, ln_g.reshape(1, C), ln_b.reshape(1, C),
                       w_ep, b_ep.reshape(1, C), w_eg, b_eg.reshape(1, C),
                       w_og, b_og.reshape(1, C))

    tp = jnp.pad(node_trans, ((0, 0), (0, CG - 3)))
    xa = jnp.concatenate([node_features, tp], axis=1)
    eye = jnp.eye(CG, dtype=f32)
    w_top = jnp.concatenate(
        [w_nl, w_nr, jnp.zeros((C, C - 2 * CG), f32)], axis=1)
    w_bot = jnp.concatenate(
        [jnp.zeros((CG, 2 * CG), f32), eye, jnp.zeros((CG, C - 3 * CG), f32)],
        axis=1)
    w_nt = jnp.concatenate([w_top, w_bot], axis=0)
    b_nt = jnp.concatenate(
        [b_nl, b_nr, jnp.zeros((C - 2 * CG,), f32)]).reshape(1, C)
    nt = _node_tables(xa, w_nt, b_nt)

    AB = _pair_gather(nt, nid, ee1, idx0)

    ci = jnp.arange(CG * CG, dtype=jnp.int32)
    E = (ci[None, :] // CG == jnp.arange(CG, dtype=jnp.int32)[:, None]).astype(f32)
    T = (ci[None, :] % CG == jnp.arange(CG, dtype=jnp.int32)[:, None]).astype(f32)
    f = _pair_math(AB, E, T, w_dg, b_dg.reshape(1, C), w_dp, b_dp.reshape(1, C))

    iota_in = jnp.arange(16, dtype=jnp.int32)
    zrows = jnp.zeros((ACC_ROWS // 16, C), f32)
    idx_pad = jnp.concatenate(
        [idx0, jnp.full((NW * KCAP - N_EE,), 0x3fffffff, jnp.int32)])
    S0p, S1p, c0p, c1p = _seg_scatter(f, idx_pad, iota_in, zrows)

    out = _finalize(e2, og, S0p[:N_EDGES], S1p[:N_EDGES],
                    c0p[:N_EDGES].reshape(N_EDGES, 1),
                    c1p[:N_EDGES].reshape(N_EDGES, 1),
                    w_lo, b_lo.reshape(1, C))
    return out

# --- scband reference (transcript-rebuilt; emitter-appended) ---
"""Pipeline reference for scband-sparse-triangle-multiplicative-update-56023553409067 (READ-ONLY COPY).

The authoritative reference and input builder live on the scoring server;
editing this copy changes nothing except your own understanding.
"""

import jax, jax.numpy as jnp
import numpy as np

N_NODES = 10000
N_EDGES = 160000
N_EE = 640000
C_S = 128
C_Z = 128
C_GATE = 16
NUM_RBF = 64


def _rbf(D, D_min=0.0, D_max=20.0, D_count=NUM_RBF):
    D_mu = jnp.linspace(D_min, D_max, D_count)
    D_sigma = (D_max - D_min) / D_count
    return jnp.exp(-(((D[..., None] - D_mu) / D_sigma) ** 2))


def layer_norm(x, g, b, eps=1e-5):
    m = jnp.mean(x, axis=-1, keepdims=True)
    v = jnp.var(x, axis=-1, keepdims=True)
    return (x - m) / jnp.sqrt(v + eps) * g + b


def setup_inputs(seed: int = 0):
    key = jax.random.key(seed)
    ks = jax.random.split(key, 24)
    inp = {}
    inp['node_features'] = jax.random.normal(ks[0], (N_NODES, C_S), jnp.float32)
    inp['node_trans'] = jax.random.normal(ks[1], (N_NODES, 3), jnp.float32)
    inp['edge_features'] = jax.random.normal(ks[2], (N_EDGES, C_Z), jnp.float32)
    inp['edge_index'] = jax.random.randint(ks[3], (2, N_EDGES), 0, N_NODES, jnp.int32)
    inp['edge_edge_index'] = jax.random.randint(ks[4], (2, N_EE), 0, N_EDGES, jnp.int32)
    s = 0.05
    inp['ln_g'] = jnp.ones((C_Z,), jnp.float32)
    inp['ln_b'] = jnp.zeros((C_Z,), jnp.float32)
    inp['w_nl'] = jax.random.normal(ks[5], (C_S, C_GATE), jnp.float32) * s
    inp['b_nl'] = jnp.zeros((C_GATE,), jnp.float32)
    inp['w_nr'] = jax.random.normal(ks[6], (C_S, C_GATE), jnp.float32) * s
    inp['b_nr'] = jnp.zeros((C_GATE,), jnp.float32)
    inp['w_ep'] = jax.random.normal(ks[7], (C_Z, C_Z), jnp.float32) * s
    inp['b_ep'] = jnp.zeros((C_Z,), jnp.float32)
    inp['w_eg'] = jax.random.normal(ks[8], (C_Z, C_Z), jnp.float32) * s
    inp['b_eg'] = jnp.zeros((C_Z,), jnp.float32)
    inp['w_dg'] = jax.random.normal(ks[9], (C_GATE * C_GATE, C_Z), jnp.float32) * s
    inp['b_dg'] = jnp.zeros((C_Z,), jnp.float32)
    inp['w_dp'] = jax.random.normal(ks[10], (NUM_RBF, C_Z), jnp.float32) * s
    inp['b_dp'] = jnp.zeros((C_Z,), jnp.float32)
    inp['w_lo'] = jax.random.normal(ks[11], (C_Z, C_Z), jnp.float32) * s
    inp['b_lo'] = jnp.zeros((C_Z,), jnp.float32)
    inp['w_og'] = jax.random.normal(ks[12], (C_Z, C_Z), jnp.float32) * s
    inp['b_og'] = jnp.zeros((C_Z,), jnp.float32)
    return inp


def reference(node_features, node_trans, edge_features, edge_index, edge_edge_index,
              ln_g, ln_b, w_nl, b_nl, w_nr, b_nr, w_ep, b_ep, w_eg, b_eg,
              w_dg, b_dg, w_dp, b_dp, w_lo, b_lo, w_og, b_og):
    eps = 1e-8
    e3n1 = edge_index[0, edge_edge_index[1]]
    e3n2 = edge_index[0, edge_edge_index[0]]
    ef = layer_norm(edge_features, ln_g, ln_b)
    node_left = node_features @ w_nl + b_nl
    node_right = node_features @ w_nr + b_nr
    a = jnp.take(node_left, e3n1, axis=0)
    b = jnp.take(node_right, e3n2, axis=0)
    edge3 = a[:, :, None] * b[:, None, :]
    edge3_gate = edge3.reshape(-1, C_GATE * C_GATE) @ w_dg + b_dg
    t1 = jnp.take(node_trans, e3n1, axis=0)
    t2 = jnp.take(node_trans, e3n2, axis=0)
    edge3_dist = jnp.linalg.norm(t1 - t2 + eps, axis=-1)
    dist_feat = _rbf(edge3_dist) @ w_dp + b_dp
    edge3_features = jax.nn.sigmoid(edge3_gate) * dist_feat
    e2 = ef @ w_ep + b_ep
    e2g = ef @ w_eg + b_eg
    e2 = jax.nn.sigmoid(e2g) * e2
    e2 = jnp.take(e2, edge_edge_index[0], axis=0)
    edge_update = e2 * edge3_features
    edge_update = jax.ops.segment_sum(edge_update, edge_edge_index[0], num_segments=N_EDGES)
    cnt = jax.ops.segment_sum(jnp.ones((N_EE,), jnp.float32), edge_edge_index[0], num_segments=N_EDGES)
    cnt = jnp.where(cnt <= 0, 1.0, cnt)
    edge_update = edge_update / jnp.sqrt(cnt)[:, None]
    edge_update = edge_update @ w_lo + b_lo
    edge_update = edge_update * jax.nn.sigmoid(ef @ w_og + b_og)
    return edge_update

if __name__ == "__main__":
    import jax
    _d = setup_inputs()
    print(jax.jit(kernel)(*tuple(_d.values())))

</pallas_src>

<mosaic_0001>
#map = affine_map<(d0, d1) -> (0, 0)>
#map1 = affine_map<(d0, d1) -> (0)>
module attributes {stable_mosaic.version = 14 : i64} {
  func.func @_pair_gather_body(%arg0: i32, %arg1: i32, %arg2: memref<10000x128xf32, #tpu.memory_space<hbm>>, %arg3: memref<160000xi32, #tpu.memory_space<hbm>>, %arg4: memref<640000xi32, #tpu.memory_space<hbm>>, %arg5: memref<640000xi32, #tpu.memory_space<hbm>>, %arg6: memref<640000x64xf32, #tpu.memory_space<hbm>>, %arg7: memref<400xi32, #tpu.memory_space<vmem>>, %arg8: memref<400xi32, #tpu.memory_space<vmem>>, %arg9: memref<200xi32, #tpu.memory_space<vmem>>, %arg10: memref<200xi32, #tpu.memory_space<vmem>>, %arg11: memref<200x128xf32, #tpu.memory_space<vmem>>, %arg12: memref<200x128xf32, #tpu.memory_space<vmem>>, %arg13: memref<200x64xf32, #tpu.memory_space<vmem>>, %arg14: memref<!tpu.dma_semaphore, #tpu.memory_space<semaphore_mem>>, %arg15: memref<!tpu.dma_semaphore, #tpu.memory_space<semaphore_mem>>) attributes {dimension_semantics = [#tpu.dimension_semantics<core_parallel>, #tpu.dimension_semantics<subcore_parallel>], iteration_bounds = array<i64: 2, 16>, scalar_prefetch = 0 : i64, scratch_operands = 9 : i64, tpu.core_type = #tpu.core_type<sc_vector_subcore>, window_params = [{transform_indices = #map}, {transform_indices = #map1}, {transform_indices = #map1}, {transform_indices = #map1}, {transform_indices = #map}]} {
    %mul3A = arith.constant 2 : i32
    %mul3A_0 = arith.muli %arg1, %mul3A : i32
    %add3A = arith.addi %mul3A_0, %arg0 : i32
    %mul3A_1 = arith.constant 20000 : i32
    %mul3A_2 = arith.muli %add3A, %mul3A_1 : i32
    %dma_start3A = arith.constant 0 : i32
    %dma_start3A_3 = tpu.memref_slice %arg7[%dma_start3A] : memref<400xi32, #tpu.memory_space<vmem>> -> memref<200xi32, #tpu.memory_space<vmem>>
    %dma_start3A_4 = tpu.memref_slice %arg4[%mul3A_2] : memref<640000xi32, #tpu.memory_space<hbm>> -> memref<200xi32, #tpu.memory_space<hbm>>
    %dma_start3A_5 = arith.constant 0 : i32
    %dma_start3A_6 = tpu.memref_slice %arg7[%dma_start3A_5] : memref<400xi32, #tpu.memory_space<vmem>> -> memref<200xi32, #tpu.memory_space<vmem>>
    %dma_start3A_7 = tpu.memref_slice %arg4[%mul3A_2] : memref<640000xi32, #tpu.memory_space<hbm>> -> memref<200xi32, #tpu.memory_space<hbm>>
    tpu.enqueue_dma source(%dma_start3A_7 : memref<200xi32, #tpu.memory_space<hbm>>) target(%dma_start3A_6 : memref<200xi32, #tpu.memory_space<vmem>>) target_semaphore(%arg14 : memref<!tpu.dma_semaphore, #tpu.memory_space<semaphore_mem>>)
    %dma_start3A_8 = arith.constant 0 : i32
    %dma_start3A_9 = tpu.memref_slice %arg8[%dma_start3A_8] : memref<400xi32, #tpu.memory_space<vmem>> -> memref<200xi32, #tpu.memory_space<vmem>>
    %dma_start3A_10 = tpu.memref_slice %arg5[%mul3A_2] : memref<640000xi32, #tpu.memory_space<hbm>> -> memref<200xi32, #tpu.memory_space<hbm>>
    %dma_start3A_11 = arith.constant 0 : i32
    %dma_start3A_12 = tpu.memref_slice %arg8[%dma_start3A_11] : memref<400xi32, #tpu.memory_space<vmem>> -> memref<200xi32, #tpu.memory_space<vmem>>
    %dma_start3A_13 = tpu.memref_slice %arg5[%mul3A_2] : memref<640000xi32, #tpu.memory_space<hbm>> -> memref<200xi32, #tpu.memory_space<hbm>>
    tpu.enqueue_dma source(%dma_start3A_13 : memref<200xi32, #tpu.memory_space<hbm>>) target(%dma_start3A_12 : memref<200xi32, #tpu.memory_space<vmem>>) target_semaphore(%arg14 : memref<!tpu.dma_semaphore, #tpu.memory_space<semaphore_mem>>)
    %scan3A = arith.constant 0 : i32
    %scan3A_14 = arith.constant 0 : i32
    %scan3A_15 = arith.constant 100 : i32
    %scan3A_16 = arith.addi %scan3A_14, %scan3A_15 : i32
    %scan3A_17 = arith.constant 1 : i32
    %scan3A_18 = scf.for %scan3A_20 = %scan3A_14 to %scan3A_16 step %scan3A_17 iter_args(%scan3A_21 = %scan3A) -> (i32)  : i32 {
      %rem3A = arith.constant 2 : i32
      %rem3A_22 = arith.remsi %scan3A_20, %rem3A : i32
      %mul3A_23 = arith.constant 200 : i32
      %mul3A_24 = arith.muli %rem3A_22, %mul3A_23 : i32
      %mul3A_25 = arith.constant 200 : i32
      %mul3A_26 = arith.muli %scan3A_20, %mul3A_25 : i32
      %add3A_27 = arith.addi %mul3A_2, %mul3A_26 : i32
      %dma_wait3A = tpu.memref_slice %arg7[%mul3A_24] : memref<400xi32, #tpu.memory_space<vmem>> -> memref<200xi32, #tpu.memory_space<vmem>>
      %dma_wait3A_28 = tpu.memref_slice %arg4[%mul3A_2] : memref<640000xi32, #tpu.memory_space<hbm>> -> memref<200xi32, #tpu.memory_space<hbm>>
      %dma_wait3A_29 = tpu.memref_slice %arg7[%mul3A_24] : memref<400xi32, #tpu.memory_space<vmem>> -> memref<200xi32, #tpu.memory_space<vmem>>
      %dma_wait3A_30 = tpu.memref_slice %arg4[%mul3A_2] : memref<640000xi32, #tpu.memory_space<hbm>> -> memref<200xi32, #tpu.memory_space<hbm>>
      tpu.wait_dma2 semaphore(%arg14 : memref<!tpu.dma_semaphore, #tpu.memory_space<semaphore_mem>>) src(%dma_wait3A_30 : memref<200xi32, #tpu.memory_space<hbm>>) dst(%dma_wait3A_29 : memref<200xi32, #tpu.memory_space<vmem>>)
      %dma_wait3A_31 = tpu.memref_slice %arg8[%mul3A_24] : memref<400xi32, #tpu.memory_space<vmem>> -> memref<200xi32, #tpu.memory_space<vmem>>
      %dma_wait3A_32 = tpu.memref_slice %arg5[%mul3A_2] : memref<640000xi32, #tpu.memory_space<hbm>> -> memref<200xi32, #tpu.memory_space<hbm>>
      %dma_wait3A_33 = tpu.memref_slice %arg8[%mul3A_24] : memref<400xi32, #tpu.memory_space<vmem>> -> memref<200xi32, #tpu.memory_space<vmem>>
      %dma_wait3A_34 = tpu.memref_slice %arg5[%mul3A_2] : memref<640000xi32, #tpu.memory_space<hbm>> -> memref<200xi32, #tpu.memory_space<hbm>>
      tpu.wait_dma2 semaphore(%arg14 : memref<!tpu.dma_semaphore, #tpu.memory_space<semaphore_mem>>) src(%dma_wait3A_34 : memref<200xi32, #tpu.memory_space<hbm>>) dst(%dma_wait3A_33 : memref<200xi32, #tpu.memory_space<vmem>>)
      %dma_start3A_35 = tpu.memref_slice %arg7[%mul3A_24] : memref<400xi32, #tpu.memory_space<vmem>> -> memref<200xi32, #tpu.memory_space<vmem>>
      %dma_start3A_36 = arith.constant 0 : i32
      %dma_start3A_37 = tpu.memref_slice %arg3[%dma_start3A_36] : memref<160000xi32, #tpu.memory_space<hbm>> -> memref<160000xi32, #tpu.memory_space<hbm>>
      tpu.enqueue_indirect_dma source(%dma_start3A_37 : memref<160000xi32, #tpu.memory_space<hbm>>) target(%arg9 : memref<200xi32, #tpu.memory_space<vmem>>) offsets(%dma_start3A_35 : memref<200xi32, #tpu.memory_space<vmem>>) semaphore(%arg15 : memref<!tpu.dma_semaphore, #tpu.memory_space<semaphore_mem>>)
      %dma_start3A_38 = tpu.memref_slice %arg8[%mul3A_24] : memref<400xi32, #tpu.memory_space<vmem>> -> memref<200xi32, #tpu.memory_space<vmem>>
      %dma_start3A_39 = arith.constant 0 : i32
      %dma_start3A_40 = tpu.memref_slice %arg3[%dma_start3A_39] : memref<160000xi32, #tpu.memory_space<hbm>> -> memref<160000xi32, #tpu.memory_space<hbm>>
      tpu.enqueue_indirect_dma source(%dma_start3A_40 : memref<160000xi32, #tpu.memory_space<hbm>>) target(%arg10 : memref<200xi32, #tpu.memory_space<vmem>>) offsets(%dma_start3A_38 : memref<200xi32, #tpu.memory_space<vmem>>) semaphore(%arg15 : memref<!tpu.dma_semaphore, #tpu.memory_space<semaphore_mem>>)
      %add3A_41 = arith.constant 1 : i32
      %add3A_42 = arith.addi %scan3A_20, %add3A_41 : i32
      %lt3A = arith.constant 100 : i32
      %lt3A_43 = arith.cmpi slt, %add3A_42, %lt3A : i32
      %convert_element_type3A = arith.extui %lt3A_43 : i1 to i32
      %cond3A = arith.constant 0 : i32
      %cond3A_44 = arith.cmpi ne, %convert_element_type3A, %cond3A : i32
      scf.if %cond3A_44 {
        %add3A_71 = arith.constant 1 : i32
        %add3A_72 = arith.addi %scan3A_20, %add3A_71 : i32
        %mul3A_73 = arith.constant 200 : i32
        %mul3A_74 = arith.muli %add3A_72, %mul3A_73 : i32
        %add3A_75 = arith.addi %mul3A_2, %mul3A_74 : i32
        %add3A_76 = arith.constant 1 : i32
        %add3A_77 = arith.addi %scan3A_20, %add3A_76 : i32
        %rem3A_78 = arith.constant 2 : i32
        %rem3A_79 = arith.remsi %add3A_77, %rem3A_78 : i32
        %mul3A_80 = arith.constant 200 : i32
        %mul3A_81 = arith.muli %rem3A_79, %mul3A_80 : i32
        %dma_start3A_82 = tpu.memref_slice %arg7[%mul3A_81] : memref<400xi32, #tpu.memory_space<vmem>> -> memref<200xi32, #tpu.memory_space<vmem>>
        %dma_start3A_83 = tpu.memref_slice %arg4[%add3A_75] : memref<640000xi32, #tpu.memory_space<hbm>> -> memref<200xi32, #tpu.memory_space<hbm>>
        %dma_start3A_84 = tpu.memref_slice %arg7[%mul3A_81] : memref<400xi32, #tpu.memory_space<vmem>> -> memref<200xi32, #tpu.memory_space<vmem>>
        %dma_start3A_85 = tpu.memref_slice %arg4[%add3A_75] : memref<640000xi32, #tpu.memory_space<hbm>> -> memref<200xi32, #tpu.memory_space<hbm>>
        tpu.enqueue_dma source(%dma_start3A_85 : memref<200xi32, #tpu.memory_space<hbm>>) target(%dma_start3A_84 : memref<200xi32, #tpu.memory_space<vmem>>) target_semaphore(%arg14 : memref<!tpu.dma_semaphore, #tpu.memory_space<semaphore_mem>>)
        %dma_start3A_86 = tpu.memref_slice %arg8[%mul3A_81] : memref<400xi32, #tpu.memory_space<vmem>> -> memref<200xi32, #tpu.memory_space<vmem>>
        %dma_start3A_87 = tpu.memref_slice %arg5[%add3A_75] : memref<640000xi32, #tpu.memory_space<hbm>> -> memref<200xi32, #tpu.memory_space<hbm>>
        %dma_start3A_88 = tpu.memref_slice %arg8[%mul3A_81] : memref<400xi32, #tpu.memory_space<vmem>> -> memref<200xi32, #tpu.memory_space<vmem>>
        %dma_start3A_89 = tpu.memref_slice %arg5[%add3A_75] : memref<640000xi32, #tpu.memory_space<hbm>> -> memref<200xi32, #tpu.memory_space<hbm>>
        tpu.enqueue_dma source(%dma_start3A_89 : memref<200xi32, #tpu.memory_space<hbm>>) target(%dma_start3A_88 : memref<200xi32, #tpu.memory_space<vmem>>) target_semaphore(%arg14 : memref<!tpu.dma_semaphore, #tpu.memory_space<semaphore_mem>>)
      } else {
      }
      %dma_wait3A_45 = tpu.memref_slice %arg7[%mul3A_24] : memref<400xi32, #tpu.memory_space<vmem>> -> memref<200xi32, #tpu.memory_space<vmem>>
      %dma_wait3A_46 = arith.constant 0 : i32
      %dma_wait3A_47 = tpu.memref_slice %arg3[%dma_wait3A_46] : memref<160000xi32, #tpu.memory_space<hbm>> -> memref<160000xi32, #tpu.memory_space<hbm>>
      tpu.wait_indirect_dma semaphore(%arg15 : memref<!tpu.dma_semaphore, #tpu.memory_space<semaphore_mem>>) src(%dma_wait3A_47 : memref<160000xi32, #tpu.memory_space<hbm>>) dst(%arg9 : memref<200xi32, #tpu.memory_space<vmem>>)
      %dma_wait3A_48 = tpu.memref_slice %arg8[%mul3A_24] : memref<400xi32, #tpu.memory_space<vmem>> -> memref<200xi32, #tpu.memory_space<vmem>>
      %dma_wait3A_49 = arith.constant 0 : i32
      %dma_wait3A_50 = tpu.memref_slice %arg3[%dma_wait3A_49] : memref<160000xi32, #tpu.memory_space<hbm>> -> memref<160000xi32, #tpu.memory_space<hbm>>
      tpu.wait_indirect_dma semaphore(%arg15 : memref<!tpu.dma_semaphore, #tpu.memory_space<semaphore_mem>>) src(%dma_wait3A_50 : memref<160000xi32, #tpu.memory_space<hbm>>) dst(%arg10 : memref<200xi32, #tpu.memory_space<vmem>>)
      %dma_start3A_51 = arith.constant 0 : i32
      %dma_start3A_52 = arith.constant 0 : i32
      %dma_start3A_53 = tpu.memref_slice %arg2[%dma_start3A_51, %dma_start3A_52] : memref<10000x128xf32, #tpu.memory_space<hbm>> -> memref<10000x128xf32, #tpu.memory_space<hbm>>
      tpu.enqueue_indirect_dma source(%dma_start3A_53 : memref<10000x128xf32, #tpu.memory_space<hbm>>) target(%arg11 : memref<200x128xf32, #tpu.memory_space<vmem>>) offsets(%arg9 : memref<200xi32, #tpu.memory_space<vmem>>) semaphore(%arg15 : memref<!tpu.dma_semaphore, #tpu.memory_space<semaphore_mem>>)
      %dma_start3A_54 = arith.constant 0 : i32
      %dma_start3A_55 = arith.constant 0 : i32
      %dma_start3A_56 = tpu.memref_slice %arg2[%dma_start3A_54, %dma_start3A_55] : memref<10000x128xf32, #tpu.memory_space<hbm>> -> memref<10000x128xf32, #tpu.memory_space<hbm>>
      tpu.enqueue_indirect_dma source(%dma_start3A_56 : memref<10000x128xf32, #tpu.memory_space<hbm>>) target(%arg12 : memref<200x128xf32, #tpu.memory_space<vmem>>) offsets(%arg10 : memref<200xi32, #tpu.memory_space<vmem>>) semaphore(%arg15 : memref<!tpu.dma_semaphore, #tpu.memory_space<semaphore_mem>>)
      %dma_wait3A_57 = arith.constant 0 : i32
      %dma_wait3A_58 = arith.constant 0 : i32
      %dma_wait3A_59 = tpu.memref_slice %arg2[%dma_wait3A_57, %dma_wait3A_58] : memref<10000x128xf32, #tpu.memory_space<hbm>> -> memref<10000x128xf32, #tpu.memory_space<hbm>>
      tpu.wait_indirect_dma semaphore(%arg15 : memref<!tpu.dma_semaphore, #tpu.memory_space<semaphore_mem>>) src(%dma_wait3A_59 : memref<10000x128xf32, #tpu.memory_space<hbm>>) dst(%arg11 : memref<200x128xf32, #tpu.memory_space<vmem>>)
      %dma_wait3A_60 = arith.constant 0 : i32
      %dma_wait3A_61 = arith.constant 0 : i32
      %dma_wait3A_62 = tpu.memref_slice %arg2[%dma_wait3A_60, %dma_wait3A_61] : memref<10000x128xf32, #tpu.memory_space<hbm>> -> memref<10000x128xf32, #tpu.memory_space<hbm>>
      tpu.wait_indirect_dma semaphore(%arg15 : memref<!tpu.dma_semaphore, #tpu.memory_space<semaphore_mem>>) src(%dma_wait3A_62 : memref<10000x128xf32, #tpu.memory_space<hbm>>) dst(%arg12 : memref<200x128xf32, #tpu.memory_space<vmem>>)
      %scan3A_63 = arith.constant 0 : i32
      %scan3A_64 = arith.constant 0 : i32
      %scan3A_65 = arith.constant 200 : i32
      %scan3A_66 = arith.addi %scan3A_64, %scan3A_65 : i32
      %scan3A_67 = arith.constant 1 : i32
      %scan3A_68 = scf.for %scan3A_71 = %scan3A_64 to %scan3A_66 step %scan3A_67 iter_args(%scan3A_72 = %scan3A_63) -> (i32)  : i32 {
        %get3A = arith.index_cast %scan3A_71 : i32 to index
        %get3A_73 = arith.constant 0 : index
        %get3A_74 = tpu.vector_load %arg11[%get3A, %get3A_73] {strides = array<i32>} : memref<200x128xf32, #tpu.memory_space<vmem>>, vector<1x16xf32>,
        %get3A_75 = vector.shape_cast %get3A_74 : vector<1x16xf32> to vector<16xf32>
        %swap3A = arith.index_cast %scan3A_71 : i32 to index
        %swap3A_76 = arith.constant 0 : index
        %swap3A_77 = tpu.vector_load %arg13[%swap3A, %swap3A_76] {strides = array<i32>} : memref<200x64xf32, #tpu.memory_space<vmem>>, vector<1x16xf32>,
        %swap3A_78 = vector.shape_cast %swap3A_77 : vector<1x16xf32> to vector<16xf32>
        %swap3A_79 = vector.shape_cast %get3A_75 : vector<16xf32> to vector<1x16xf32>
        tpu.vector_store %arg13[%swap3A, %swap3A_76], %swap3A_79 {strides = array<i32>} : memref<200x64xf32, #tpu.memory_space<vmem>>, vector<1x16xf32>,
        %get3A_80 = arith.index_cast %scan3A_71 : i32 to index
        %get3A_81 = arith.constant 32 : index
        %get3A_82 = tpu.vector_load %arg11[%get3A_80, %get3A_81] {strides = array<i32>} : memref<200x128xf32, #tpu.memory_space<vmem>>, vector<1x16xf32>,
        %get3A_83 = vector.shape_cast %get3A_82 : vector<1x16xf32> to vector<16xf32>
        %swap3A_84 = arith.index_cast %scan3A_71 : i32 to index
        %swap3A_85 = arith.constant 32 : index
        %swap3A_86 = tpu.vector_load %arg13[%swap3A_84, %swap3A_85] {strides = array<i32>} : memref<200x64xf32, #tpu.memory_space<vmem>>, vector<1x16xf32>,
        %swap3A_87 = vector.shape_cast %swap3A_86 : vector<1x16xf32> to vector<16xf32>
        %swap3A_88 = vector.shape_cast %get3A_83 : vector<16xf32> to vector<1x16xf32>
        tpu.vector_store %arg13[%swap3A_84, %swap3A_85], %swap3A_88 {strides = array<i32>} : memref<200x64xf32, #tpu.memory_space<vmem>>, vector<1x16xf32>,
        %get3A_89 = arith.index_cast %scan3A_71 : i32 to index
        %get3A_90 = arith.constant 16 : index
        %get3A_91 = tpu.vector_load %arg12[%get3A_89, %get3A_90] {strides = array<i32>} : memref<200x128xf32, #tpu.memory_space<vmem>>, vector<1x16xf32>,
        %get3A_92 = vector.shape_cast %get3A_91 : vector<1x16xf32> to vector<16xf32>
        %swap3A_93 = arith.index_cast %scan3A_71 : i32 to index
        %swap3A_94 = arith.constant 16 : index
        %swap3A_95 = tpu.vector_load %arg13[%swap3A_93, %swap3A_94] {strides = array<i32>} : memref<200x64xf32, #tpu.memory_space<vmem>>, vector<1x16xf32>,
        %swap3A_96 = vector.shape_cast %swap3A_95 : vector<1x16xf32> to vector<16xf32>
        %swap3A_97 = vector.shape_cast %get3A_92 : vector<16xf32> to vector<1x16xf32>
        tpu.vector_store %arg13[%swap3A_93, %swap3A_94], %swap3A_97 {strides = array<i32>} : memref<200x64xf32, #tpu.memory_space<vmem>>, vector<1x16xf32>,
        %get3A_98 = arith.index_cast %scan3A_71 : i32 to index
        %get3A_99 = arith.constant 32 : index
        %get3A_100 = tpu.vector_load %arg12[%get3A_98, %get3A_99] {strides = array<i32>} : memref<200x128xf32, #tpu.memory_space<vmem>>, vector<1x16xf32>,
        %get3A_101 = vector.shape_cast %get3A_100 : vector<1x16xf32> to vector<16xf32>
        %swap3A_102 = arith.index_cast %scan3A_71 : i32 to index
        %swap3A_103 = arith.constant 48 : index
        %swap3A_104 = tpu.vector_load %arg13[%swap3A_102, %swap3A_103] {strides = array<i32>} : memref<200x64xf32, #tpu.memory_space<vmem>>, vector<1x16xf32>,
        %swap3A_105 = vector.shape_cast %swap3A_104 : vector<1x16xf32> to vector<16xf32>
        %swap3A_106 = vector.shape_cast %get3A_101 : vector<16xf32> to vector<1x16xf32>
        tpu.vector_store %arg13[%swap3A_102, %swap3A_103], %swap3A_106 {strides = array<i32>} : memref<200x64xf32, #tpu.memory_space<vmem>>, vector<1x16xf32>,
        %scan3A_107 = arith.constant 0 : i32
        scf.yield %scan3A_107 : i32
      }
      %scan3A_69 = arith.constant 200 : i32
      "tpu.region"() ({
        %run_scoped3A = tpu.sem_alloc : memref<!tpu.dma_semaphore, #tpu.memory_space<semaphore_mem>>
        %dma_start3A_71 = arith.constant 0 : i32
        %dma_start3A_72 = tpu.memref_slice %arg6[%add3A_27, %dma_start3A_71] : memref<640000x64xf32, #tpu.memory_space<hbm>> -> memref<200x64xf32, #tpu.memory_space<hbm>>
        %dma_start3A_73 = arith.constant 0 : i32
        %dma_start3A_74 = tpu.memref_slice %arg6[%add3A_27, %dma_start3A_73] : memref<640000x64xf32, #tpu.memory_space<hbm>> -> memref<200x64xf32, #tpu.memory_space<hbm>>
        tpu.enqueue_dma source(%arg13 : memref<200x64xf32, #tpu.memory_space<vmem>>) target(%dma_start3A_74 : memref<200x64xf32, #tpu.memory_space<hbm>>) target_semaphore(%run_scoped3A : memref<!tpu.dma_semaphore, #tpu.memory_space<semaphore_mem>>)
        %dma_wait3A_75 = arith.constant 0 : i32
        %dma_wait3A_76 = tpu.memref_slice %arg6[%add3A_27, %dma_wait3A_75] : memref<640000x64xf32, #tpu.memory_space<hbm>> -> memref<200x64xf32, #tpu.memory_space<hbm>>
        %dma_wait3A_77 = arith.constant 0 : i32
        %dma_wait3A_78 = tpu.memref_slice %arg6[%add3A_27, %dma_wait3A_77] : memref<640000x64xf32, #tpu.memory_space<hbm>> -> memref<200x64xf32, #tpu.memory_space<hbm>>
        tpu.wait_dma2 semaphore(%run_scoped3A : memref<!tpu.dma_semaphore, #tpu.memory_space<semaphore_mem>>) src(%arg13 : memref<200x64xf32, #tpu.memory_space<vmem>>) dst(%dma_wait3A_78 : memref<200x64xf32, #tpu.memory_space<hbm>>)
        tpu.yield
      }) : () -> ()
      %scan3A_70 = arith.constant 0 : i32
      scf.yield %scan3A_70 : i32
    }
    %scan3A_19 = arith.constant 100 : i32
    return
  }
}

#map = affine_map<(d0, d1) -> (0, 0)>
#map1 = affine_map<(d0, d1) -> (0)>
module attributes {stable_mosaic.version = 14 : i64} {
  func.func @_seg_scatter_body(%arg0: i32, %arg1: i32, %arg2: memref<640000x128xf32, #tpu.memory_space<hbm>>, %arg3: memref<655360xi32, #tpu.memory_space<hbm>>, %arg4: memref<16xi32, #tpu.memory_space<hbm>>, %arg5: memref<680x128xf32, #tpu.memory_space<hbm>>, %arg6: memref<161280x128xf32, #tpu.memory_space<hbm>>, %arg7: memref<161280x128xf32, #tpu.memory_space<hbm>>, %arg8: memref<161280xf32, #tpu.memory_space<hbm>>, %arg9: memref<161280xf32, #tpu.memory_space<hbm>>, %arg10: memref<2x512xi32, #tpu.memory_space<vmem>>, %arg11: memref<128xi32, #tpu.memory_space<vmem>>, %arg12: memref<512xi32, #tpu.memory_space<vmem>>, %arg13: memref<4x128xi32, #tpu.memory_space<vmem>>, %arg14: memref<128x128xf32, #tpu.memory_space<vmem>>, %arg15: memref<192xi32, #tpu.memory_space<vmem>>, %arg16: memref<128xi32, #tpu.memory_space<vmem>>, %arg17: memref<128xf32, #tpu.memory_space<vmem>>, %arg18: memref<1344xf32, #tpu.memory_space<vmem>>, %arg19: memref<1344xf32, #tpu.memory_space<vmem>>, %arg20: memref<327680xi32, #tpu.memory_space<vmem_shared>>, %arg21: memref<10880x128xf32, #tpu.memory_space<vmem_shared>>, %arg22: memref<10880xf32, #tpu.memory_space<vmem_shared>>, %arg23: memref<!tpu.dma_semaphore, #tpu.memory_space<semaphore_mem>>, %arg24: memref<!tpu.dma_semaphore, #tpu.memory_space<semaphore_mem>>, %arg25: memref<!tpu.dma_semaphore, #tpu.memory_space<semaphore_mem>>) attributes {dimension_semantics = [#tpu.dimension_semantics<core_parallel>, #tpu.dimension_semantics<subcore_parallel>], iteration_bounds = array<i64: 2, 16>, scalar_prefetch = 0 : i64, scratch_operands = 16 : i64, tpu.core_type = #tpu.core_type<sc_vector_subcore>, window_params = [{transform_indices = #map}, {transform_indices = #map1}, {transform_indices = #map1}, {transform_indices = #map}, {transform_indices = #map}, {transform_indices = #map}, {transform_indices = #map1}, {transform_indices = #map1}]} {
    %mul3A = arith.constant 2 : i32
    %mul3A_0 = arith.muli %arg1, %mul3A : i32
    %add3A = arith.addi %mul3A_0, %arg0 : i32
    %mul3A_1 = arith.constant 20480 : i32
    %mul3A_2 = arith.muli %add3A, %mul3A_1 : i32
    %broadcast_in_dim3A = arith.constant 0 : i32
    %broadcast_in_dim3A_3 = vector.broadcast %broadcast_in_dim3A : i32 to vector<16xi32>
    %broadcast_in_dim3A_4 = arith.constant 0.000000e+00 : f32
    %broadcast_in_dim3A_5 = vector.broadcast %broadcast_in_dim3A_4 : f32 to vector<16xf32>
    %broadcast_in_dim3A_6 = arith.constant 1.000000e+00 : f32
    %broadcast_in_dim3A_7 = vector.broadcast %broadcast_in_dim3A_6 : f32 to vector<16xf32>
    "tpu.region"() ({
      %run_scoped3A = tpu.sem_alloc : memref<!tpu.dma_semaphore, #tpu.memory_space<semaphore_mem>>
      %dma_start3A = arith.constant 0 : i32
      %dma_start3A_33 = tpu.memref_slice %arg15[%dma_start3A] : memref<192xi32, #tpu.memory_space<vmem>> -> memref<16xi32, #tpu.memory_space<vmem>>
      %dma_start3A_34 = arith.constant 0 : i32
      %dma_start3A_35 = tpu.memref_slice %arg4[%dma_start3A_34] : memref<16xi32, #tpu.memory_space<hbm>> -> memref<16xi32, #tpu.memory_space<hbm>>
      %dma_start3A_36 = arith.constant 0 : i32
      %dma_start3A_37 = tpu.memref_slice %arg15[%dma_start3A_36] : memref<192xi32, #tpu.memory_space<vmem>> -> memref<16xi32, #tpu.memory_space<vmem>>
      %dma_start3A_38 = arith.constant 0 : i32
      %dma_start3A_39 = tpu.memref_slice %arg4[%dma_start3A_38] : memref<16xi32, #tpu.memory_space<hbm>> -> memref<16xi32, #tpu.memory_space<hbm>>
      tpu.enqueue_dma source(%dma_start3A_39 : memref<16xi32, #tpu.memory_space<hbm>>) target(%dma_start3A_37 : memref<16xi32, #tpu.memory_space<vmem>>) target_semaphore(%run_scoped3A : memref<!tpu.dma_semaphore, #tpu.memory_space<semaphore_mem>>)
      %dma_wait3A = arith.constant 0 : i32
      %dma_wait3A_40 = tpu.memref_slice %arg15[%dma_wait3A] : memref<192xi32, #tpu.memory_space<vmem>> -> memref<16xi32, #tpu.memory_space<vmem>>
      %dma_wait3A_41 = arith.constant 0 : i32
      %dma_wait3A_42 = tpu.memref_slice %arg4[%dma_wait3A_41] : memref<16xi32, #tpu.memory_space<hbm>> -> memref<16xi32, #tpu.memory_space<hbm>>
      %dma_wait3A_43 = arith.constant 0 : i32
      %dma_wait3A_44 = tpu.memref_slice %arg15[%dma_wait3A_43] : memref<192xi32, #tpu.memory_space<vmem>> -> memref<16xi32, #tpu.memory_space<vmem>>
      %dma_wait3A_45 = arith.constant 0 : i32
      %dma_wait3A_46 = tpu.memref_slice %arg4[%dma_wait3A_45] : memref<16xi32, #tpu.memory_space<hbm>> -> memref<16xi32, #tpu.memory_space<hbm>>
      tpu.wait_dma2 semaphore(%run_scoped3A : memref<!tpu.dma_semaphore, #tpu.memory_space<semaphore_mem>>) src(%dma_wait3A_46 : memref<16xi32, #tpu.memory_space<hbm>>) dst(%dma_wait3A_44 : memref<16xi32, #tpu.memory_space<vmem>>)
      tpu.yield
    }) : () -> ()
    %get3A = arith.constant 0 : index
    %get3A_8 = tpu.vector_load %arg15[%get3A] {strides = array<i32>} : memref<192xi32, #tpu.memory_space<vmem>>, vector<16xi32>,
    %get3A_9 = vector.shape_cast %get3A_8 : vector<16xi32> to vector<16xi32>
    %swap3A = arith.constant 16 : index
    %swap3A_10 = tpu.vector_load %arg15[%swap3A] {strides = array<i32>} : memref<192xi32, #tpu.memory_space<vmem>>, vector<16xi32>,
    %swap3A_11 = vector.shape_cast %swap3A_10 : vector<16xi32> to vector<16xi32>
    %swap3A_12 = vector.shape_cast %broadcast_in_dim3A_3 : vector<16xi32> to vector<16xi32>
    tpu.vector_store %arg15[%swap3A], %swap3A_12 {strides = array<i32>} : memref<192xi32, #tpu.memory_space<vmem>>, vector<16xi32>,
    %scan3A = arith.constant 0 : i32
    %scan3A_13 = arith.constant 0 : i32
    %scan3A_14 = arith.constant 8 : i32
    %scan3A_15 = arith.addi %scan3A_13, %scan3A_14 : i32
    %scan3A_16 = arith.constant 1 : i32
    %scan3A_17 = scf.for %scan3A_33 = %scan3A_13 to %scan3A_15 step %scan3A_16 iter_args(%scan3A_34 = %scan3A) -> (i32)  : i32 {
      %mul3A_35 = arith.constant 16 : i32
      %mul3A_36 = arith.muli %scan3A_33, %mul3A_35 : i32
      %swap3A_37 = arith.index_cast %mul3A_36 : i32 to index
      %swap3A_38 = tpu.vector_load %arg17[%swap3A_37] {strides = array<i32>} : memref<128xf32, #tpu.memory_space<vmem>>, vector<16xf32>,
      %swap3A_39 = vector.shape_cast %swap3A_38 : vector<16xf32> to vector<16xf32>
      %swap3A_40 = vector.shape_cast %broadcast_in_dim3A_7 : vector<16xf32> to vector<16xf32>
      tpu.vector_store %arg17[%swap3A_37], %swap3A_40 {strides = array<i32>} : memref<128xf32, #tpu.memory_space<vmem>>, vector<16xf32>,
      %scan3A_41 = arith.constant 0 : i32
      scf.yield %scan3A_41 : i32
    }
    %scan3A_18 = arith.constant 8 : i32
    %scan3A_19 = arith.constant 0 : i32
    %scan3A_20 = arith.constant 0 : i32
    %scan3A_21 = arith.constant 84 : i32
    %scan3A_22 = arith.addi %scan3A_20, %scan3A_21 : i32
    %scan3A_23 = arith.constant 1 : i32
    %scan3A_24 = scf.for %scan3A_33 = %scan3A_20 to %scan3A_22 step %scan3A_23 iter_args(%scan3A_34 = %scan3A_19) -> (i32)  : i32 {
      %mul3A_35 = arith.constant 16 : i32
      %mul3A_36 = arith.muli %scan3A_33, %mul3A_35 : i32
      %swap3A_37 = arith.index_cast %mul3A_36 : i32 to index
      %swap3A_38 = tpu.vector_load %arg18[%swap3A_37] {strides = array<i32>} : memref<1344xf32, #tpu.memory_space<vmem>>, vector<16xf32>,
      %swap3A_39 = vector.shape_cast %swap3A_38 : vector<16xf32> to vector<16xf32>
      %swap3A_40 = vector.shape_cast %broadcast_in_dim3A_5 : vector<16xf32> to vector<16xf32>
      tpu.vector_store %arg18[%swap3A_37], %swap3A_40 {strides = array<i32>} : memref<1344xf32, #tpu.memory_space<vmem>>, vector<16xf32>,
      %scan3A_41 = arith.constant 0 : i32
      scf.yield %scan3A_41 : i32
    }
    %scan3A_25 = arith.constant 84 : i32
    %scan3A_26 = arith.constant 0 : i32
    %scan3A_27 = arith.constant 0 : i32
    %scan3A_28 = arith.constant 15 : i32
    %scan3A_29 = arith.addi %scan3A_27, %scan3A_28 : i32
    %scan3A_30 = arith.constant 1 : i32
    %scan3A_31 = scf.for %scan3A_33 = %scan3A_27 to %scan3A_29 step %scan3A_30 iter_args(%scan3A_34 = %scan3A_26) -> (i32)  : i32 {
      %mul3A_35 = arith.constant 10752 : i32
      %mul3A_36 = arith.muli %scan3A_33, %mul3A_35 : i32
      %mul3A_37 = arith.constant 680 : i32
      %mul3A_38 = arith.muli %arg1, %mul3A_37 : i32
      "tpu.region"() ({
        %run_scoped3A = tpu.sem_alloc : memref<!tpu.dma_semaphore, #tpu.memory_space<semaphore_mem>>
        %dma_start3A_96 = arith.constant 0 : i32
        %dma_start3A_97 = tpu.memref_slice %arg21[%mul3A_38, %dma_start3A_96] : memref<10880x128xf32, #tpu.memory_space<vmem_shared>> -> memref<680x128xf32, #tpu.memory_space<vmem_shared>>
        tpu.enqueue_dma source(%arg5 : memref<680x128xf32, #tpu.memory_space<hbm>>) target(%dma_start3A_97 : memref<680x128xf32, #tpu.memory_space<vmem_shared>>) target_semaphore(%run_scoped3A : memref<!tpu.dma_semaphore, #tpu.memory_space<semaphore_mem>>)
        %dma_wait3A = arith.constant 0 : i32
        %dma_wait3A_98 = tpu.memref_slice %arg21[%mul3A_38, %dma_wait3A] : memref<10880x128xf32, #tpu.memory_space<vmem_shared>> -> memref<680x128xf32, #tpu.memory_space<vmem_shared>>
        tpu.wait_dma2 semaphore(%run_scoped3A : memref<!tpu.dma_semaphore, #tpu.memory_space<semaphore_mem>>) src(%arg5 : memref<680x128xf32, #tpu.memory_space<hbm>>) dst(%dma_wait3A_98 : memref<680x128xf32, #tpu.memory_space<vmem_shared>>)
        tpu.yield
      }) : () -> ()
      %eq3A = arith.constant 0 : i32
      %eq3A_39 = arith.cmpi eq, %arg1, %eq3A : i32
      %convert_element_type3A = arith.extui %eq3A_39 : i1 to i32
      %cond3A = arith.constant 0 : i32
      %cond3A_40 = arith.cmpi ne, %convert_element_type3A, %cond3A : i32
      scf.if %cond3A_40 {
        %scan3A_96 = arith.constant 0 : i32
        %scan3A_97 = arith.constant 0 : i32
        %scan3A_98 = arith.constant 8 : i32
        %scan3A_99 = arith.addi %scan3A_97, %scan3A_98 : i32
        %scan3A_100 = arith.constant 1 : i32
        %scan3A_101 = scf.for %scan3A_103 = %scan3A_97 to %scan3A_99 step %scan3A_100 iter_args(%scan3A_104 = %scan3A_96) -> (i32)  : i32 {
          %mul3A_105 = arith.constant 1344 : i32
          %mul3A_106 = arith.muli %scan3A_103, %mul3A_105 : i32
          "tpu.region"() ({
            %run_scoped3A = tpu.sem_alloc : memref<!tpu.dma_semaphore, #tpu.memory_space<semaphore_mem>>
            %dma_start3A_108 = tpu.memref_slice %arg22[%mul3A_106] : memref<10880xf32, #tpu.memory_space<vmem_shared>> -> memref<1344xf32, #tpu.memory_space<vmem_shared>>
            %dma_start3A_109 = tpu.memref_slice %arg22[%mul3A_106] : memref<10880xf32, #tpu.memory_space<vmem_shared>> -> memref<1344xf32, #tpu.memory_space<vmem_shared>>
            tpu.enqueue_dma source(%arg18 : memref<1344xf32, #tpu.memory_space<vmem>>) target(%dma_start3A_109 : memref<1344xf32, #tpu.memory_space<vmem_shared>>) target_semaphore(%run_scoped3A : memref<!tpu.dma_semaphore, #tpu.memory_space<semaphore_mem>>)
            %dma_wait3A = tpu.memref_slice %arg22[%mul3A_106] : memref<10880xf32, #tpu.memory_space<vmem_shared>> -> memref<1344xf32, #tpu.memory_space<vmem_shared>>
            %dma_wait3A_110 = tpu.memref_slice %arg22[%mul3A_106] : memref<10880xf32, #tpu.memory_space<vmem_shared>> -> memref<1344xf32, #tpu.memory_space<vmem_shared>>
            tpu.wait_dma2 semaphore(%run_scoped3A : memref<!tpu.dma_semaphore, #tpu.memory_space<semaphore_mem>>) src(%arg18 : memref<1344xf32, #tpu.memory_space<vmem>>) dst(%dma_wait3A_110 : memref<1344xf32, #tpu.memory_space<vmem_shared>>)
            tpu.yield
          }) : () -> ()
          %scan3A_107 = arith.constant 0 : i32
          scf.yield %scan3A_107 : i32
        }
        %scan3A_102 = arith.constant 8 : i32
      } else {
      }
      %barrier3A = arith.constant 0 : index
      tpu.barrier barrier_id(%barrier3A)
      %mul3A_41 = arith.constant 20480 : i32
      %mul3A_42 = arith.muli %arg1, %mul3A_41 : i32
      %dma_start3A = arith.constant 0 : i32
      %dma_start3A_43 = arith.constant 0 : i32
      %dma_start3A_44 = tpu.memref_slice %arg10[%dma_start3A, %dma_start3A_43] : memref<2x512xi32, #tpu.memory_space<vmem>> -> memref<1x512xi32, #tpu.memory_space<vmem>>
      %dma_start3A_45 = tpu.memref_squeeze %dma_start3A_44 : memref<1x512xi32, #tpu.memory_space<vmem>> -> memref<512xi32, #tpu.memory_space<vmem>>
      %dma_start3A_46 = tpu.memref_slice %arg3[%mul3A_2] : memref<655360xi32, #tpu.memory_space<hbm>> -> memref<512xi32, #tpu.memory_space<hbm>>
      %dma_start3A_47 = arith.constant 0 : i32
      %dma_start3A_48 = tpu.memref_slice %arg10[%dma_start3A, %dma_start3A_47] : memref<2x512xi32, #tpu.memory_space<vmem>> -> memref<1x512xi32, #tpu.memory_space<vmem>>
      %dma_start3A_49 = tpu.memref_squeeze %dma_start3A_48 : memref<1x512xi32, #tpu.memory_space<vmem>> -> memref<512xi32, #tpu.memory_space<vmem>>
      %dma_start3A_50 = tpu.memref_slice %arg3[%mul3A_2] : memref<655360xi32, #tpu.memory_space<hbm>> -> memref<512xi32, #tpu.memory_space<hbm>>
      tpu.enqueue_dma source(%dma_start3A_50 : memref<512xi32, #tpu.memory_space<hbm>>) target(%dma_start3A_49 : memref<512xi32, #tpu.memory_space<vmem>>) target_semaphore(%arg23 : memref<!tpu.dma_semaphore, #tpu.memory_space<semaphore_mem>>)
      %scan3A_51 = arith.constant 0 : i32
      %scan3A_52 = arith.constant 0 : i32
      %scan3A_53 = arith.constant 40 : i32
      %scan3A_54 = arith.addi %scan3A_52, %scan3A_53 : i32
      %scan3A_55 = arith.constant 1 : i32
      %scan3A_56 = scf.for %scan3A_96 = %scan3A_52 to %scan3A_54 step %scan3A_55 iter_args(%scan3A_97 = %scan3A_51) -> (i32)  : i32 {
        %rem3A = arith.constant 2 : i32
        %rem3A_98 = arith.remsi %scan3A_96, %rem3A : i32
        %dma_wait3A = arith.constant 0 : i32
        %dma_wait3A_99 = tpu.memref_slice %arg10[%rem3A_98, %dma_wait3A] : memref<2x512xi32, #tpu.memory_space<vmem>> -> memref<1x512xi32, #tpu.memory_space<vmem>>
        %dma_wait3A_100 = tpu.memref_squeeze %dma_wait3A_99 : memref<1x512xi32, #tpu.memory_space<vmem>> -> memref<512xi32, #tpu.memory_space<vmem>>
        %dma_wait3A_101 = tpu.memref_slice %arg3[%mul3A_2] : memref<655360xi32, #tpu.memory_space<hbm>> -> memref<512xi32, #tpu.memory_space<hbm>>
        %dma_wait3A_102 = arith.constant 0 : i32
        %dma_wait3A_103 = tpu.memref_slice %arg10[%rem3A_98, %dma_wait3A_102] : memref<2x512xi32, #tpu.memory_space<vmem>> -> memref<1x512xi32, #tpu.memory_space<vmem>>
        %dma_wait3A_104 = tpu.memref_squeeze %dma_wait3A_103 : memref<1x512xi32, #tpu.memory_space<vmem>> -> memref<512xi32, #tpu.memory_space<vmem>>
        %dma_wait3A_105 = tpu.memref_slice %arg3[%mul3A_2] : memref<655360xi32, #tpu.memory_space<hbm>> -> memref<512xi32, #tpu.memory_space<hbm>>
        tpu.wait_dma2 semaphore(%arg23 : memref<!tpu.dma_semaphore, #tpu.memory_space<semaphore_mem>>) src(%dma_wait3A_105 : memref<512xi32, #tpu.memory_space<hbm>>) dst(%dma_wait3A_104 : memref<512xi32, #tpu.memory_space<vmem>>)
        %add3A_106 = arith.constant 1 : i32
        %add3A_107 = arith.addi %scan3A_96, %add3A_106 : i32
        %lt3A = arith.constant 40 : i32
        %lt3A_108 = arith.cmpi slt, %add3A_107, %lt3A : i32
        %convert_element_type3A_109 = arith.extui %lt3A_108 : i1 to i32
        %cond3A_110 = arith.constant 0 : i32
        %cond3A_111 = arith.cmpi ne, %convert_element_type3A_109, %cond3A_110 : i32
        scf.if %cond3A_111 {
          %add3A_184 = arith.constant 1 : i32
          %add3A_185 = arith.addi %scan3A_96, %add3A_184 : i32
          %mul3A_186 = arith.constant 512 : i32
          %mul3A_187 = arith.muli %add3A_185, %mul3A_186 : i32
          %add3A_188 = arith.addi %mul3A_2, %mul3A_187 : i32
          %add3A_189 = arith.constant 1 : i32
          %add3A_190 = arith.addi %scan3A_96, %add3A_189 : i32
          %rem3A_191 = arith.constant 2 : i32
          %rem3A_192 = arith.remsi %add3A_190, %rem3A_191 : i32
          %dma_start3A_193 = arith.constant 0 : i32
          %dma_start3A_194 = tpu.memref_slice %arg10[%rem3A_192, %dma_start3A_193] : memref<2x512xi32, #tpu.memory_space<vmem>> -> memref<1x512xi32, #tpu.memory_space<vmem>>
          %dma_start3A_195 = tpu.memref_squeeze %dma_start3A_194 : memref<1x512xi32, #tpu.memory_space<vmem>> -> memref<512xi32, #tpu.memory_space<vmem>>
          %dma_start3A_196 = tpu.memref_slice %arg3[%add3A_188] : memref<655360xi32, #tpu.memory_space<hbm>> -> memref<512xi32, #tpu.memory_space<hbm>>
          %dma_start3A_197 = arith.constant 0 : i32
          %dma_start3A_198 = tpu.memref_slice %arg10[%rem3A_192, %dma_start3A_197] : memref<2x512xi32, #tpu.memory_space<vmem>> -> memref<1x512xi32, #tpu.memory_space<vmem>>
          %dma_start3A_199 = tpu.memref_squeeze %dma_start3A_198 : memref<1x512xi32, #tpu.memory_space<vmem>> -> memref<512xi32, #tpu.memory_space<vmem>>
          %dma_start3A_200 = tpu.memref_slice %arg3[%add3A_188] : memref<655360xi32, #tpu.memory_space<hbm>> -> memref<512xi32, #tpu.memory_space<hbm>>
          tpu.enqueue_dma source(%dma_start3A_200 : memref<512xi32, #tpu.memory_space<hbm>>) target(%dma_start3A_199 : memref<512xi32, #tpu.memory_space<vmem>>) target_semaphore(%arg23 : memref<!tpu.dma_semaphore, #tpu.memory_space<semaphore_mem>>)
        } else {
        }
        %rem3A_112 = arith.constant 2 : i32
        %rem3A_113 = arith.remsi %scan3A_96, %rem3A_112 : i32
        %scan3A_114 = arith.constant 0 : i32
        %scan3A_115 = arith.constant 32 : i32
        %scan3A_116 = arith.addi %scan3A_114, %scan3A_115 : i32
        %scan3A_117 = arith.constant 1 : i32
        %scan3A_118 = scf.for %scan3A_184 = %scan3A_114 to %scan3A_116 step %scan3A_117 iter_args(%scan3A_185 = %scan3A_97) -> (i32)  : i32 {
          %mul3A_186 = arith.constant 16 : i32
          %mul3A_187 = arith.muli %scan3A_184, %mul3A_186 : i32
          %get3A_188 = arith.index_cast %rem3A_113 : i32 to index
          %get3A_189 = arith.index_cast %mul3A_187 : i32 to index
          %get3A_190 = tpu.vector_load %arg10[%get3A_188, %get3A_189] {strides = array<i32>} : memref<2x512xi32, #tpu.memory_space<vmem>>, vector<1x16xi32>,
          %get3A_191 = vector.shape_cast %get3A_190 : vector<1x16xi32> to vector<16xi32>
          %ge3A = vector.broadcast %mul3A_36 : i32 to vector<16xi32>
          %ge3A_192 = arith.cmpi sge, %get3A_191, %ge3A : vector<16xi32>
          %add3A_193 = arith.constant 10752 : i32
          %add3A_194 = arith.addi %mul3A_36, %add3A_193 : i32
          %lt3A_195 = vector.broadcast %add3A_194 : i32 to vector<16xi32>
          %lt3A_196 = arith.cmpi slt, %get3A_191, %lt3A_195 : vector<16xi32>
          %and3A_197 = arith.andi %ge3A_192, %lt3A_196 : vector<16xi1>
          %jit3A = arith.constant 1 : i32
          %jit3A_198 = arith.constant 0 : i32
          %broadcast_in_dim3A_199 = vector.broadcast %jit3A : i32 to vector<16xi32>
          %broadcast_in_dim3A_200 = vector.broadcast %jit3A_198 : i32 to vector<16xi32>
          %select_n3A = arith.select %and3A_197, %broadcast_in_dim3A_199, %broadcast_in_dim3A_200 : vector<16xi1>, vector<16xi32>
          %swap3A_201 = arith.constant 32 : index
          %swap3A_202 = tpu.vector_load %arg15[%swap3A_201] {strides = array<i32>} : memref<192xi32, #tpu.memory_space<vmem>>, vector<16xi32>,
          %swap3A_203 = vector.shape_cast %swap3A_202 : vector<16xi32> to vector<16xi32>
          %swap3A_204 = vector.shape_cast %select_n3A : vector<16xi32> to vector<16xi32>
          tpu.vector_store %arg15[%swap3A_201], %swap3A_204 {strides = array<i32>} : memref<192xi32, #tpu.memory_space<vmem>>, vector<16xi32>,
          %get3A_205 = arith.constant 31 : index
          %get3A_206 = tpu.vector_load %arg15[%get3A_205] {strides = array<i32>} : memref<192xi32, #tpu.memory_space<vmem>>, vector<16xi32>,
          %get3A_207 = vector.shape_cast %get3A_206 : vector<16xi32> to vector<16xi32>
          %add3A_208 = arith.addi %select_n3A, %get3A_207 : vector<16xi32>
          %swap3A_209 = arith.constant 32 : index
          %swap3A_210 = tpu.vector_load %arg15[%swap3A_209] {strides = array<i32>} : memref<192xi32, #tpu.memory_space<vmem>>, vector<16xi32>,
          %swap3A_211 = vector.shape_cast %swap3A_210 : vector<16xi32> to vector<16xi32>
          %swap3A_212 = vector.shape_cast %add3A_208 : vector<16xi32> to vector<16xi32>
          tpu.vector_store %arg15[%swap3A_209], %swap3A_212 {strides = array<i32>} : memref<192xi32, #tpu.memory_space<vmem>>, vector<16xi32>,
          %get3A_213 = arith.constant 30 : index
          %get3A_214 = tpu.vector_load %arg15[%get3A_213] {strides = array<i32>} : memref<192xi32, #tpu.memory_space<vmem>>, vector<16xi32>,
          %get3A_215 = vector.shape_cast %get3A_214 : vector<16xi32> to vector<16xi32>
          %add3A_216 = arith.addi %add3A_208, %get3A_215 : vector<16xi32>
          %swap3A_217 = arith.constant 32 : index
          %swap3A_218 = tpu.vector_load %arg15[%swap3A_217] {strides = array<i32>} : memref<192xi32, #tpu.memory_space<vmem>>, vector<16xi32>,
          %swap3A_219 = vector.shape_cast %swap3A_218 : vector<16xi32> to vector<16xi32>
          %swap3A_220 = vector.shape_cast %add3A_216 : vector<16xi32> to vector<16xi32>
          tpu.vector_store %arg15[%swap3A_217], %swap3A_220 {strides = array<i32>} : memref<192xi32, #tpu.memory_space<vmem>>, vector<16xi32>,
          %get3A_221 = arith.constant 28 : index
          %get3A_222 = tpu.vector_load %arg15[%get3A_221] {strides = array<i32>} : memref<192xi32, #tpu.memory_space<vmem>>, vector<16xi32>,
          %get3A_223 = vector.shape_cast %get3A_222 : vector<16xi32> to vector<16xi32>
          %add3A_224 = arith.addi %add3A_216, %get3A_223 : vector<16xi32>
          %swap3A_225 = arith.constant 32 : index
          %swap3A_226 = tpu.vector_load %arg15[%swap3A_225] {strides = array<i32>} : memref<192xi32, #tpu.memory_space<vmem>>, vector<16xi32>,
          %swap3A_227 = vector.shape_cast %swap3A_226 : vector<16xi32> to vector<16xi32>
          %swap3A_228 = vector.shape_cast %add3A_224 : vector<16xi32> to vector<16xi32>
          tpu.vector_store %arg15[%swap3A_225], %swap3A_228 {strides = array<i32>} : memref<192xi32, #tpu.memory_space<vmem>>, vector<16xi32>,
          %get3A_229 = arith.constant 24 : index
          %get3A_230 = tpu.vector_load %arg15[%get3A_229] {strides = array<i32>} : memref<192xi32, #tpu.memory_space<vmem>>, vector<16xi32>,
          %get3A_231 = vector.shape_cast %get3A_230 : vector<16xi32> to vector<16xi32>
          %add3A_232 = arith.addi %add3A_224, %get3A_231 : vector<16xi32>
          %add3A_233 = arith.addi %mul3A_42, %scan3A_185 : i32
          %sub3A = arith.constant 1 : i32
          %sub3A_234 = arith.subi %add3A_233, %sub3A : i32
          %add3A_235 = vector.broadcast %sub3A_234 : i32 to vector<16xi32>
          %add3A_236 = arith.addi %add3A_235, %add3A_232 : vector<16xi32>
          %add3A_237 = arith.constant 20352 : i32
          %add3A_238 = arith.addi %mul3A_42, %add3A_237 : i32
          %add3A_239 = vector.broadcast %add3A_238 : i32 to vector<16xi32>
          %add3A_240 = arith.addi %add3A_239, %get3A_9 : vector<16xi32>
          %select_n3A_241 = arith.select %and3A_197, %add3A_236, %add3A_240 : vector<16xi1>, vector<16xi32>
          %mul3A_242 = arith.constant 512 : i32
          %mul3A_243 = arith.muli %scan3A_96, %mul3A_242 : i32
          %add3A_244 = arith.addi %mul3A_2, %mul3A_243 : i32
          %mul3A_245 = arith.constant 16 : i32
          %mul3A_246 = arith.muli %scan3A_184, %mul3A_245 : i32
          %add3A_247 = arith.addi %add3A_244, %mul3A_246 : i32
          %add3A_248 = vector.broadcast %add3A_247 : i32 to vector<16xi32>
          %add3A_249 = arith.addi %get3A_9, %add3A_248 : vector<16xi32>
          %mul3A_250 = arith.constant 16 : i32
          %mul3A_251 = arith.muli %scan3A_184, %mul3A_250 : i32
          %swap3A_252 = arith.index_cast %mul3A_251 : i32 to index
          %swap3A_253 = tpu.vector_load %arg12[%swap3A_252] {strides = array<i32>} : memref<512xi32, #tpu.memory_space<vmem>>, vector<16xi32>,
          %swap3A_254 = vector.shape_cast %swap3A_253 : vector<16xi32> to vector<16xi32>
          %swap3A_255 = vector.shape_cast %add3A_249 : vector<16xi32> to vector<16xi32>
          tpu.vector_store %arg12[%swap3A_252], %swap3A_255 {strides = array<i32>} : memref<512xi32, #tpu.memory_space<vmem>>, vector<16xi32>,
          %jit3A_256 = arith.constant 8 : i32
          %div3A = arith.divsi %scan3A_184, %jit3A_256 : i32
          %sign3A = arith.constant 0 : i32
          %sign3A_257 = arith.cmpi sgt, %scan3A_184, %sign3A : i32
          %sign3A_258 = arith.extui %sign3A_257 : i1 to i32
          %sign3A_259 = arith.constant 0 : i32
          %sign3A_260 = arith.cmpi slt, %scan3A_184, %sign3A_259 : i32
          %sign3A_261 = arith.extui %sign3A_260 : i1 to i32
          %sign3A_262 = arith.subi %sign3A_258, %sign3A_261 : i32
          %sign3A_263 = arith.constant 0 : i32
          %sign3A_264 = arith.cmpi sgt, %jit3A_256, %sign3A_263 : i32
          %sign3A_265 = arith.extui %sign3A_264 : i1 to i32
          %sign3A_266 = arith.constant 0 : i32
          %sign3A_267 = arith.cmpi slt, %jit3A_256, %sign3A_266 : i32
          %sign3A_268 = arith.extui %sign3A_267 : i1 to i32
          %sign3A_269 = arith.subi %sign3A_265, %sign3A_268 : i32
          %ne3A = arith.cmpi ne, %sign3A_262, %sign3A_269 : i32
          %rem3A_270 = arith.remsi %scan3A_184, %jit3A_256 : i32
          %ne3A_271 = arith.constant 0 : i32
          %ne3A_272 = arith.cmpi ne, %rem3A_270, %ne3A_271 : i32
          %and3A_273 = arith.andi %ne3A, %ne3A_272 : i1
          %sub3A_274 = arith.constant 1 : i32
          %sub3A_275 = arith.subi %div3A, %sub3A_274 : i32
          %select_n3A_276 = arith.select %and3A_273, %sub3A_275, %div3A : i32
          %jit3A_277 = arith.constant 8 : i32
          %eq3A_278 = arith.constant 0 : i32
          %eq3A_279 = arith.cmpi eq, %jit3A_277, %eq3A_278 : i32
          %jit3A_280 = arith.constant 1 : i32
          %select_n3A_281 = arith.select %eq3A_279, %jit3A_280, %jit3A_277 : i32
          %rem3A_282 = arith.remsi %scan3A_184, %select_n3A_281 : i32
          %ne3A_283 = arith.constant 0 : i32
          %ne3A_284 = arith.cmpi ne, %rem3A_282, %ne3A_283 : i32
          %lt3A_285 = arith.constant 0 : i32
          %lt3A_286 = arith.cmpi slt, %rem3A_282, %lt3A_285 : i32
          %lt3A_287 = arith.constant 0 : i32
          %lt3A_288 = arith.cmpi slt, %select_n3A_281, %lt3A_287 : i32
          %ne3A_289 = arith.xori %lt3A_286, %lt3A_288 : i1
          %and3A_290 = arith.andi %ne3A_289, %ne3A_284 : i1
          %add3A_291 = arith.addi %rem3A_282, %select_n3A_281 : i32
          %select_n3A_292 = arith.select %and3A_290, %add3A_291, %rem3A_282 : i32
          %mul3A_293 = arith.constant 16 : i32
          %mul3A_294 = arith.muli %select_n3A_292, %mul3A_293 : i32
          %swap3A_295 = arith.index_cast %select_n3A_276 : i32 to index
          %swap3A_296 = arith.index_cast %mul3A_294 : i32 to index
          %swap3A_297 = tpu.vector_load %arg13[%swap3A_295, %swap3A_296] {strides = array<i32>} : memref<4x128xi32, #tpu.memory_space<vmem>>, vector<1x16xi32>,
          %swap3A_298 = vector.shape_cast %swap3A_297 : vector<1x16xi32> to vector<16xi32>
          %swap3A_299 = vector.shape_cast %select_n3A_241 : vector<16xi32> to vector<1x16xi32>
          tpu.vector_store %arg13[%swap3A_295, %swap3A_296], %swap3A_299 {strides = array<i32>} : memref<4x128xi32, #tpu.memory_space<vmem>>, vector<1x16xi32>,
          %slice3A = vector.extract_strided_slice %add3A_232 {offsets = [15], sizes = [1], strides = [1]} : vector<16xi32> to vector<1xi32>
          %squeeze3A = vector.extract %slice3A[0] : i32 from vector<1xi32>
          %add3A_300 = arith.addi %scan3A_185, %squeeze3A : i32
          scf.yield %add3A_300 : i32
        }
        %scan3A_119 = arith.constant 32 : i32
        %dma_start3A_120 = arith.constant 0 : i32
        %dma_start3A_121 = arith.constant 0 : i32
        %dma_start3A_122 = tpu.memref_slice %arg12[%dma_start3A_121] : memref<512xi32, #tpu.memory_space<vmem>> -> memref<128xi32, #tpu.memory_space<vmem>>
        %dma_start3A_123 = arith.constant 0 : i32
        %dma_start3A_124 = tpu.memref_slice %arg13[%dma_start3A_120, %dma_start3A_123] : memref<4x128xi32, #tpu.memory_space<vmem>> -> memref<1x128xi32, #tpu.memory_space<vmem>>
        %dma_start3A_125 = tpu.memref_squeeze %dma_start3A_124 : memref<1x128xi32, #tpu.memory_space<vmem>> -> memref<128xi32, #tpu.memory_space<vmem>>
        %dma_start3A_126 = arith.constant 0 : i32
        %dma_start3A_127 = tpu.memref_slice %arg20[%dma_start3A_126] : memref<327680xi32, #tpu.memory_space<vmem_shared>> -> memref<327680xi32, #tpu.memory_space<vmem_shared>>
        tpu.enqueue_indirect_dma source(%dma_start3A_122 : memref<128xi32, #tpu.memory_space<vmem>>) target(%dma_start3A_127 : memref<327680xi32, #tpu.memory_space<vmem_shared>>) offsets(%dma_start3A_125 : memref<128xi32, #tpu.memory_space<vmem>>) semaphore(%arg25 : memref<!tpu.dma_semaphore, #tpu.memory_space<semaphore_mem>>)
        %dma_start3A_128 = arith.constant 1 : i32
        %dma_start3A_129 = arith.constant 128 : i32
        %dma_start3A_130 = tpu.memref_slice %arg12[%dma_start3A_129] : memref<512xi32, #tpu.memory_space<vmem>> -> memref<128xi32, #tpu.memory_space<vmem>>
        %dma_start3A_131 = arith.constant 0 : i32
        %dma_start3A_132 = tpu.memref_slice %arg13[%dma_start3A_128, %dma_start3A_131] : memref<4x128xi32, #tpu.memory_space<vmem>> -> memref<1x128xi32, #tpu.memory_space<vmem>>
        %dma_start3A_133 = tpu.memref_squeeze %dma_start3A_132 : memref<1x128xi32, #tpu.memory_space<vmem>> -> memref<128xi32, #tpu.memory_space<vmem>>
        %dma_start3A_134 = arith.constant 0 : i32
        %dma_start3A_135 = tpu.memref_slice %arg20[%dma_start3A_134] : memref<327680xi32, #tpu.memory_space<vmem_shared>> -> memref<327680xi32, #tpu.memory_space<vmem_shared>>
        tpu.enqueue_indirect_dma source(%dma_start3A_130 : memref<128xi32, #tpu.memory_space<vmem>>) target(%dma_start3A_135 : memref<327680xi32, #tpu.memory_space<vmem_shared>>) offsets(%dma_start3A_133 : memref<128xi32, #tpu.memory_space<vmem>>) semaphore(%arg25 : memref<!tpu.dma_semaphore, #tpu.memory_space<semaphore_mem>>)
        %dma_start3A_136 = arith.constant 2 : i32
        %dma_start3A_137 = arith.constant 256 : i32
        %dma_start3A_138 = tpu.memref_slice %arg12[%dma_start3A_137] : memref<512xi32, #tpu.memory_space<vmem>> -> memref<128xi32, #tpu.memory_space<vmem>>
        %dma_start3A_139 = arith.constant 0 : i32
        %dma_start3A_140 = tpu.memref_slice %arg13[%dma_start3A_136, %dma_start3A_139] : memref<4x128xi32, #tpu.memory_space<vmem>> -> memref<1x128xi32, #tpu.memory_space<vmem>>
        %dma_start3A_141 = tpu.memref_squeeze %dma_start3A_140 : memref<1x128xi32, #tpu.memory_space<vmem>> -> memref<128xi32, #tpu.memory_space<vmem>>
        %dma_start3A_142 = arith.constant 0 : i32
        %dma_start3A_143 = tpu.memref_slice %arg20[%dma_start3A_142] : memref<327680xi32, #tpu.memory_space<vmem_shared>> -> memref<327680xi32, #tpu.memory_space<vmem_shared>>
        tpu.enqueue_indirect_dma source(%dma_start3A_138 : memref<128xi32, #tpu.memory_space<vmem>>) target(%dma_start3A_143 : memref<327680xi32, #tpu.memory_space<vmem_shared>>) offsets(%dma_start3A_141 : memref<128xi32, #tpu.memory_space<vmem>>) semaphore(%arg25 : memref<!tpu.dma_semaphore, #tpu.memory_space<semaphore_mem>>)
        %dma_start3A_144 = arith.constant 3 : i32
        %dma_start3A_145 = arith.constant 384 : i32
        %dma_start3A_146 = tpu.memref_slice %arg12[%dma_start3A_145] : memref<512xi32, #tpu.memory_space<vmem>> -> memref<128xi32, #tpu.memory_space<vmem>>
        %dma_start3A_147 = arith.constant 0 : i32
        %dma_start3A_148 = tpu.memref_slice %arg13[%dma_start3A_144, %dma_start3A_147] : memref<4x128xi32, #tpu.memory_space<vmem>> -> memref<1x128xi32, #tpu.memory_space<vmem>>
        %dma_start3A_149 = tpu.memref_squeeze %dma_start3A_148 : memref<1x128xi32, #tpu.memory_space<vmem>> -> memref<128xi32, #tpu.memory_space<vmem>>
        %dma_start3A_150 = arith.constant 0 : i32
        %dma_start3A_151 = tpu.memref_slice %arg20[%dma_start3A_150] : memref<327680xi32, #tpu.memory_space<vmem_shared>> -> memref<327680xi32, #tpu.memory_space<vmem_shared>>
        tpu.enqueue_indirect_dma source(%dma_start3A_146 : memref<128xi32, #tpu.memory_space<vmem>>) target(%dma_start3A_151 : memref<327680xi32, #tpu.memory_space<vmem_shared>>) offsets(%dma_start3A_149 : memref<128xi32, #tpu.memory_space<vmem>>) semaphore(%arg25 : memref<!tpu.dma_semaphore, #tpu.memory_space<semaphore_mem>>)
        %dma_wait3A_152 = arith.constant 0 : i32
        %dma_wait3A_153 = arith.constant 0 : i32
        %dma_wait3A_154 = tpu.memref_slice %arg12[%dma_wait3A_153] : memref<512xi32, #tpu.memory_space<vmem>> -> memref<128xi32, #tpu.memory_space<vmem>>
        %dma_wait3A_155 = arith.constant 0 : i32
        %dma_wait3A_156 = tpu.memref_slice %arg13[%dma_wait3A_152, %dma_wait3A_155] : memref<4x128xi32, #tpu.memory_space<vmem>> -> memref<1x128xi32, #tpu.memory_space<vmem>>
        %dma_wait3A_157 = tpu.memref_squeeze %dma_wait3A_156 : memref<1x128xi32, #tpu.memory_space<vmem>> -> memref<128xi32, #tpu.memory_space<vmem>>
        %dma_wait3A_158 = arith.constant 0 : i32
        %dma_wait3A_159 = tpu.memref_slice %arg20[%dma_wait3A_158] : memref<327680xi32, #tpu.memory_space<vmem_shared>> -> memref<327680xi32, #tpu.memory_space<vmem_shared>>
        tpu.wait_indirect_dma semaphore(%arg25 : memref<!tpu.dma_semaphore, #tpu.memory_space<semaphore_mem>>) src(%dma_wait3A_154 : memref<128xi32, #tpu.memory_space<vmem>>) dst(%dma_wait3A_159 : memref<327680xi32, #tpu.memory_space<vmem_shared>>)
        %dma_wait3A_160 = arith.constant 1 : i32
        %dma_wait3A_161 = arith.constant 128 : i32
        %dma_wait3A_162 = tpu.memref_slice %arg12[%dma_wait3A_161] : memref<512xi32, #tpu.memory_space<vmem>> -> memref<128xi32, #tpu.memory_space<vmem>>
        %dma_wait3A_163 = arith.constant 0 : i32
        %dma_wait3A_164 = tpu.memref_slice %arg13[%dma_wait3A_160, %dma_wait3A_163] : memref<4x128xi32, #tpu.memory_space<vmem>> -> memref<1x128xi32, #tpu.memory_space<vmem>>
        %dma_wait3A_165 = tpu.memref_squeeze %dma_wait3A_164 : memref<1x128xi32, #tpu.memory_space<vmem>> -> memref<128xi32, #tpu.memory_space<vmem>>
        %dma_wait3A_166 = arith.constant 0 : i32
        %dma_wait3A_167 = tpu.memref_slice %arg20[%dma_wait3A_166] : memref<327680xi32, #tpu.memory_space<vmem_shared>> -> memref<327680xi32, #tpu.memory_space<vmem_shared>>
        tpu.wait_indirect_dma semaphore(%arg25 : memref<!tpu.dma_semaphore, #tpu.memory_space<semaphore_mem>>) src(%dma_wait3A_162 : memref<128xi32, #tpu.memory_space<vmem>>) dst(%dma_wait3A_167 : memref<327680xi32, #tpu.memory_space<vmem_shared>>)
        %dma_wait3A_168 = arith.constant 2 : i32
        %dma_wait3A_169 = arith.constant 256 : i32
        %dma_wait3A_170 = tpu.memref_slice %arg12[%dma_wait3A_169] : memref<512xi32, #tpu.memory_space<vmem>> -> memref<128xi32, #tpu.memory_space<vmem>>
        %dma_wait3A_171 = arith.constant 0 : i32
        %dma_wait3A_172 = tpu.memref_slice %arg13[%dma_wait3A_168, %dma_wait3A_171] : memref<4x128xi32, #tpu.memory_space<vmem>> -> memref<1x128xi32, #tpu.memory_space<vmem>>
        %dma_wait3A_173 = tpu.memref_squeeze %dma_wait3A_172 : memref<1x128xi32, #tpu.memory_space<vmem>> -> memref<128xi32, #tpu.memory_space<vmem>>
        %dma_wait3A_174 = arith.constant 0 : i32
        %dma_wait3A_175 = tpu.memref_slice %arg20[%dma_wait3A_174] : memref<327680xi32, #tpu.memory_space<vmem_shared>> -> memref<327680xi32, #tpu.memory_space<vmem_shared>>
        tpu.wait_indirect_dma semaphore(%arg25 : memref<!tpu.dma_semaphore, #tpu.memory_space<semaphore_mem>>) src(%dma_wait3A_170 : memref<128xi32, #tpu.memory_space<vmem>>) dst(%dma_wait3A_175 : memref<327680xi32, #tpu.memory_space<vmem_shared>>)
        %dma_wait3A_176 = arith.constant 3 : i32
        %dma_wait3A_177 = arith.constant 384 : i32
        %dma_wait3A_178 = tpu.memref_slice %arg12[%dma_wait3A_177] : memref<512xi32, #tpu.memory_space<vmem>> -> memref<128xi32, #tpu.memory_space<vmem>>
        %dma_wait3A_179 = arith.constant 0 : i32
        %dma_wait3A_180 = tpu.memref_slice %arg13[%dma_wait3A_176, %dma_wait3A_179] : memref<4x128xi32, #tpu.memory_space<vmem>> -> memref<1x128xi32, #tpu.memory_space<vmem>>
        %dma_wait3A_181 = tpu.memref_squeeze %dma_wait3A_180 : memref<1x128xi32, #tpu.memory_space<vmem>> -> memref<128xi32, #tpu.memory_space<vmem>>
        %dma_wait3A_182 = arith.constant 0 : i32
        %dma_wait3A_183 = tpu.memref_slice %arg20[%dma_wait3A_182] : memref<327680xi32, #tpu.memory_space<vmem_shared>> -> memref<327680xi32, #tpu.memory_space<vmem_shared>>
        tpu.wait_indirect_dma semaphore(%arg25 : memref<!tpu.dma_semaphore, #tpu.memory_space<semaphore_mem>>) src(%dma_wait3A_178 : memref<128xi32, #tpu.memory_space<vmem>>) dst(%dma_wait3A_183 : memref<327680xi32, #tpu.memory_space<vmem_shared>>)
        scf.yield %scan3A_118 : i32
      }
      %scan3A_57 = arith.constant 40 : i32
      %add3A_58 = arith.constant 127 : i32
      %add3A_59 = arith.addi %scan3A_56, %add3A_58 : i32
      %shift_right_logical3A = arith.constant 7 : i32
      %shift_right_logical3A_60 = arith.shrui %add3A_59, %shift_right_logical3A : i32
      %scan3A_61 = arith.constant 0 : i32
      %scan3A_62 = arith.constant 0 : i32
      %scan3A_63 = arith.constant 160 : i32
      %scan3A_64 = arith.addi %scan3A_62, %scan3A_63 : i32
      %scan3A_65 = arith.constant 1 : i32
      %scan3A_66 = scf.for %scan3A_96 = %scan3A_62 to %scan3A_64 step %scan3A_65 iter_args(%scan3A_97 = %scan3A_61) -> (i32)  : i32 {
        %lt3A = arith.cmpi slt, %scan3A_96, %shift_right_logical3A_60 : i32
        %convert_element_type3A_98 = arith.extui %lt3A : i1 to i32
        %cond3A_99 = arith.constant 0 : i32
        %cond3A_100 = arith.cmpi ne, %convert_element_type3A_98, %cond3A_99 : i32
        scf.if %cond3A_100 {
          %mul3A_102 = arith.constant 128 : i32
          %mul3A_103 = arith.muli %scan3A_96, %mul3A_102 : i32
          %add3A_104 = arith.addi %mul3A_42, %mul3A_103 : i32
          "tpu.region"() ({
            %run_scoped3A = tpu.sem_alloc : memref<!tpu.dma_semaphore, #tpu.memory_space<semaphore_mem>>
            %dma_start3A_132 = tpu.memref_slice %arg20[%add3A_104] : memref<327680xi32, #tpu.memory_space<vmem_shared>> -> memref<128xi32, #tpu.memory_space<vmem_shared>>
            %dma_start3A_133 = tpu.memref_slice %arg20[%add3A_104] : memref<327680xi32, #tpu.memory_space<vmem_shared>> -> memref<128xi32, #tpu.memory_space<vmem_shared>>
            tpu.enqueue_dma source(%dma_start3A_133 : memref<128xi32, #tpu.memory_space<vmem_shared>>) target(%arg11 : memref<128xi32, #tpu.memory_space<vmem>>) target_semaphore(%run_scoped3A : memref<!tpu.dma_semaphore, #tpu.memory_space<semaphore_mem>>)
            %dma_wait3A_134 = tpu.memref_slice %arg20[%add3A_104] : memref<327680xi32, #tpu.memory_space<vmem_shared>> -> memref<128xi32, #tpu.memory_space<vmem_shared>>
            %dma_wait3A_135 = tpu.memref_slice %arg20[%add3A_104] : memref<327680xi32, #tpu.memory_space<vmem_shared>> -> memref<128xi32, #tpu.memory_space<vmem_shared>>
            tpu.wait_dma2 semaphore(%run_scoped3A : memref<!tpu.dma_semaphore, #tpu.memory_space<semaphore_mem>>) src(%dma_wait3A_135 : memref<128xi32, #tpu.memory_space<vmem_shared>>) dst(%arg11 : memref<128xi32, #tpu.memory_space<vmem>>)
            tpu.yield
          }) : () -> ()
          %scan3A_105 = arith.constant 0 : i32
          %scan3A_106 = arith.constant 0 : i32
          %scan3A_107 = arith.constant 8 : i32
          %scan3A_108 = arith.addi %scan3A_106, %scan3A_107 : i32
          %scan3A_109 = arith.constant 1 : i32
          %scan3A_110 = scf.for %scan3A_132 = %scan3A_106 to %scan3A_108 step %scan3A_109 iter_args(%scan3A_133 = %scan3A_105) -> (i32)  : i32 {
            %mul3A_134 = arith.constant 16 : i32
            %mul3A_135 = arith.muli %scan3A_132, %mul3A_134 : i32
            %get3A_136 = arith.index_cast %mul3A_135 : i32 to index
            %get3A_137 = tpu.vector_load %arg11[%get3A_136] {strides = array<i32>} : memref<128xi32, #tpu.memory_space<vmem>>, vector<16xi32>,
            %get3A_138 = vector.shape_cast %get3A_137 : vector<16xi32> to vector<16xi32>
            %max3A = arith.constant 0 : i32
            %max3A_139 = vector.broadcast %max3A : i32 to vector<16xi32>
            %max3A_140 = arith.maxsi %get3A_138, %max3A_139 : vector<16xi32>
            %min3A = arith.constant 639999 : i32
            %min3A_141 = vector.broadcast %min3A : i32 to vector<16xi32>
            %min3A_142 = arith.minsi %max3A_140, %min3A_141 : vector<16xi32>
            %mul3A_143 = arith.constant 16 : i32
            %mul3A_144 = arith.muli %scan3A_132, %mul3A_143 : i32
            %swap3A_145 = arith.index_cast %mul3A_144 : i32 to index
            %swap3A_146 = tpu.vector_load %arg11[%swap3A_145] {strides = array<i32>} : memref<128xi32, #tpu.memory_space<vmem>>, vector<16xi32>,
            %swap3A_147 = vector.shape_cast %swap3A_146 : vector<16xi32> to vector<16xi32>
            %swap3A_148 = vector.shape_cast %min3A_142 : vector<16xi32> to vector<16xi32>
            tpu.vector_store %arg11[%swap3A_145], %swap3A_148 {strides = array<i32>} : memref<128xi32, #tpu.memory_space<vmem>>, vector<16xi32>,
            %scan3A_149 = arith.constant 0 : i32
            scf.yield %scan3A_149 : i32
          }
          %scan3A_111 = arith.constant 8 : i32
          %dma_start3A_112 = arith.constant 0 : i32
          %dma_start3A_113 = arith.constant 0 : i32
          %dma_start3A_114 = tpu.memref_slice %arg2[%dma_start3A_112, %dma_start3A_113] : memref<640000x128xf32, #tpu.memory_space<hbm>> -> memref<640000x128xf32, #tpu.memory_space<hbm>>
          tpu.enqueue_indirect_dma source(%dma_start3A_114 : memref<640000x128xf32, #tpu.memory_space<hbm>>) target(%arg14 : memref<128x128xf32, #tpu.memory_space<vmem>>) offsets(%arg11 : memref<128xi32, #tpu.memory_space<vmem>>) semaphore(%arg24 : memref<!tpu.dma_semaphore, #tpu.memory_space<semaphore_mem>>)
          %dma_start3A_115 = arith.constant 64 : i32
          %dma_start3A_116 = tpu.memref_slice %arg15[%dma_start3A_115] : memref<192xi32, #tpu.memory_space<vmem>> -> memref<128xi32, #tpu.memory_space<vmem>>
          %dma_start3A_117 = arith.constant 0 : i32
          %dma_start3A_118 = tpu.memref_slice %arg3[%dma_start3A_117] : memref<655360xi32, #tpu.memory_space<hbm>> -> memref<655360xi32, #tpu.memory_space<hbm>>
          tpu.enqueue_indirect_dma source(%dma_start3A_118 : memref<655360xi32, #tpu.memory_space<hbm>>) target(%dma_start3A_116 : memref<128xi32, #tpu.memory_space<vmem>>) offsets(%arg11 : memref<128xi32, #tpu.memory_space<vmem>>) semaphore(%arg23 : memref<!tpu.dma_semaphore, #tpu.memory_space<semaphore_mem>>)
          %dma_wait3A = arith.constant 64 : i32
          %dma_wait3A_119 = tpu.memref_slice %arg15[%dma_wait3A] : memref<192xi32, #tpu.memory_space<vmem>> -> memref<128xi32, #tpu.memory_space<vmem>>
          %dma_wait3A_120 = arith.constant 0 : i32
          %dma_wait3A_121 = tpu.memref_slice %arg3[%dma_wait3A_120] : memref<655360xi32, #tpu.memory_space<hbm>> -> memref<655360xi32, #tpu.memory_space<hbm>>
          tpu.wait_indirect_dma semaphore(%arg23 : memref<!tpu.dma_semaphore, #tpu.memory_space<semaphore_mem>>) src(%dma_wait3A_121 : memref<655360xi32, #tpu.memory_space<hbm>>) dst(%dma_wait3A_119 : memref<128xi32, #tpu.memory_space<vmem>>)
          %scan3A_122 = arith.constant 0 : i32
          %scan3A_123 = arith.constant 0 : i32
          %scan3A_124 = arith.constant 8 : i32
          %scan3A_125 = arith.addi %scan3A_123, %scan3A_124 : i32
          %scan3A_126 = arith.constant 1 : i32
          %scan3A_127 = scf.for %scan3A_132 = %scan3A_123 to %scan3A_125 step %scan3A_126 iter_args(%scan3A_133 = %scan3A_122) -> (i32)  : i32 {
            %mul3A_134 = arith.constant 128 : i32
            %mul3A_135 = arith.muli %scan3A_96, %mul3A_134 : i32
            %mul3A_136 = arith.constant 16 : i32
            %mul3A_137 = arith.muli %scan3A_132, %mul3A_136 : i32
            %add3A_138 = arith.addi %mul3A_135, %mul3A_137 : i32
            %add3A_139 = vector.broadcast %add3A_138 : i32 to vector<16xi32>
            %add3A_140 = arith.addi %get3A_9, %add3A_139 : vector<16xi32>
            %mul3A_141 = arith.constant 16 : i32
            %mul3A_142 = arith.muli %scan3A_132, %mul3A_141 : i32
            %add3A_143 = arith.constant 64 : i32
            %add3A_144 = arith.addi %add3A_143, %mul3A_142 : i32
            %get3A_145 = arith.index_cast %add3A_144 : i32 to index
            %get3A_146 = tpu.vector_load %arg15[%get3A_145] {strides = array<i32>} : memref<192xi32, #tpu.memory_space<vmem>>, vector<16xi32>,
            %get3A_147 = vector.shape_cast %get3A_146 : vector<16xi32> to vector<16xi32>
            %lt3A_148 = vector.broadcast %scan3A_56 : i32 to vector<16xi32>
            %lt3A_149 = arith.cmpi slt, %add3A_140, %lt3A_148 : vector<16xi32>
            %sub3A = vector.broadcast %mul3A_36 : i32 to vector<16xi32>
            %sub3A_150 = arith.subi %get3A_147, %sub3A : vector<16xi32>
            %jit3A = arith.constant 10752 : i32
            %broadcast_in_dim3A_151 = vector.broadcast %jit3A : i32 to vector<16xi32>
            %select_n3A = arith.select %lt3A_149, %sub3A_150, %broadcast_in_dim3A_151 : vector<16xi1>, vector<16xi32>
            %mul3A_152 = arith.constant 16 : i32
            %mul3A_153 = arith.muli %scan3A_132, %mul3A_152 : i32
            %swap3A_154 = arith.index_cast %mul3A_153 : i32 to index
            %swap3A_155 = tpu.vector_load %arg16[%swap3A_154] {strides = array<i32>} : memref<128xi32, #tpu.memory_space<vmem>>, vector<16xi32>,
            %swap3A_156 = vector.shape_cast %swap3A_155 : vector<16xi32> to vector<16xi32>
            %swap3A_157 = vector.shape_cast %select_n3A : vector<16xi32> to vector<16xi32>
            tpu.vector_store %arg16[%swap3A_154], %swap3A_157 {strides = array<i32>} : memref<128xi32, #tpu.memory_space<vmem>>, vector<16xi32>,
            %scan3A_158 = arith.constant 0 : i32
            scf.yield %scan3A_158 : i32
          }
          %scan3A_128 = arith.constant 8 : i32
          %dma_wait3A_129 = arith.constant 0 : i32
          %dma_wait3A_130 = arith.constant 0 : i32
          %dma_wait3A_131 = tpu.memref_slice %arg2[%dma_wait3A_129, %dma_wait3A_130] : memref<640000x128xf32, #tpu.memory_space<hbm>> -> memref<640000x128xf32, #tpu.memory_space<hbm>>
          tpu.wait_indirect_dma semaphore(%arg24 : memref<!tpu.dma_semaphore, #tpu.memory_space<semaphore_mem>>) src(%dma_wait3A_131 : memref<640000x128xf32, #tpu.memory_space<hbm>>) dst(%arg14 : memref<128x128xf32, #tpu.memory_space<vmem>>)
          "tpu.region"() ({
            %run_scoped3A = tpu.sem_alloc : memref<!tpu.dma_semaphore, #tpu.memory_space<semaphore_mem>>
            %dma_start3A_132 = arith.constant 0 : i32
            %dma_start3A_133 = arith.constant 0 : i32
            %dma_start3A_134 = tpu.memref_slice %arg21[%dma_start3A_132, %dma_start3A_133] : memref<10880x128xf32, #tpu.memory_space<vmem_shared>> -> memref<10880x128xf32, #tpu.memory_space<vmem_shared>>
            tpu.enqueue_indirect_dma source(%arg14 : memref<128x128xf32, #tpu.memory_space<vmem>>) target(%dma_start3A_134 : memref<10880x128xf32, #tpu.memory_space<vmem_shared>>) offsets(%arg16 : memref<128xi32, #tpu.memory_space<vmem>>) semaphore(%run_scoped3A : memref<!tpu.dma_semaphore, #tpu.memory_space<semaphore_mem>>) {add = true}
            %dma_wait3A_135 = arith.constant 0 : i32
            %dma_wait3A_136 = arith.constant 0 : i32
            %dma_wait3A_137 = tpu.memref_slice %arg21[%dma_wait3A_135, %dma_wait3A_136] : memref<10880x128xf32, #tpu.memory_space<vmem_shared>> -> memref<10880x128xf32, #tpu.memory_space<vmem_shared>>
            tpu.wait_indirect_dma semaphore(%run_scoped3A : memref<!tpu.dma_semaphore, #tpu.memory_space<semaphore_mem>>) src(%arg14 : memref<128x128xf32, #tpu.memory_space<vmem>>) dst(%dma_wait3A_137 : memref<10880x128xf32, #tpu.memory_space<vmem_shared>>)
            tpu.yield
          }) : () -> ()
          "tpu.region"() ({
            %run_scoped3A = tpu.sem_alloc : memref<!tpu.dma_semaphore, #tpu.memory_space<semaphore_mem>>
            %dma_start3A_132 = arith.constant 0 : i32
            %dma_start3A_133 = tpu.memref_slice %arg22[%dma_start3A_132] : memref<10880xf32, #tpu.memory_space<vmem_shared>> -> memref<10880xf32, #tpu.memory_space<vmem_shared>>
            tpu.enqueue_indirect_dma source(%arg17 : memref<128xf32, #tpu.memory_space<vmem>>) target(%dma_start3A_133 : memref<10880xf32, #tpu.memory_space<vmem_shared>>) offsets(%arg16 : memref<128xi32, #tpu.memory_space<vmem>>) semaphore(%run_scoped3A : memref<!tpu.dma_semaphore, #tpu.memory_space<semaphore_mem>>) {add = true}
            %dma_wait3A_134 = arith.constant 0 : i32
            %dma_wait3A_135 = tpu.memref_slice %arg22[%dma_wait3A_134] : memref<10880xf32, #tpu.memory_space<vmem_shared>> -> memref<10880xf32, #tpu.memory_space<vmem_shared>>
            tpu.wait_indirect_dma semaphore(%run_scoped3A : memref<!tpu.dma_semaphore, #tpu.memory_space<semaphore_mem>>) src(%arg17 : memref<128xf32, #tpu.memory_space<vmem>>) dst(%dma_wait3A_135 : memref<10880xf32, #tpu.memory_space<vmem_shared>>)
            tpu.yield
          }) : () -> ()
        } else {
        }
        %scan3A_101 = arith.constant 0 : i32
        scf.yield %scan3A_101 : i32
      }
      %scan3A_67 = arith.constant 160 : i32
      %barrier3A_68 = arith.constant 0 : index
      tpu.barrier barrier_id(%barrier3A_68)
      %eq3A_69 = arith.constant 0 : i32
      %eq3A_70 = arith.cmpi eq, %arg0, %eq3A_69 : i32
      %convert_element_type3A_71 = arith.extui %eq3A_70 : i1 to i32
      %cond3A_72 = arith.constant 0 : i32
      %cond3A_73 = arith.cmpi ne, %convert_element_type3A_71, %cond3A_72 : i32
      scf.if %cond3A_73 {
        %mul3A_96 = arith.constant 672 : i32
        %mul3A_97 = arith.muli %arg1, %mul3A_96 : i32
        %mul3A_98 = arith.constant 672 : i32
        %mul3A_99 = arith.muli %arg1, %mul3A_98 : i32
        %add3A_100 = arith.addi %mul3A_36, %mul3A_99 : i32
        "tpu.region"() ({
          %run_scoped3A = tpu.sem_alloc : memref<!tpu.dma_semaphore, #tpu.memory_space<semaphore_mem>>
          %dma_start3A_101 = arith.constant 0 : i32
          %dma_start3A_102 = tpu.memref_slice %arg6[%add3A_100, %dma_start3A_101] : memref<161280x128xf32, #tpu.memory_space<hbm>> -> memref<672x128xf32, #tpu.memory_space<hbm>>
          %dma_start3A_103 = arith.constant 0 : i32
          %dma_start3A_104 = tpu.memref_slice %arg21[%mul3A_97, %dma_start3A_103] : memref<10880x128xf32, #tpu.memory_space<vmem_shared>> -> memref<672x128xf32, #tpu.memory_space<vmem_shared>>
          tpu.enqueue_dma source(%dma_start3A_104 : memref<672x128xf32, #tpu.memory_space<vmem_shared>>) target(%dma_start3A_102 : memref<672x128xf32, #tpu.memory_space<hbm>>) target_semaphore(%run_scoped3A : memref<!tpu.dma_semaphore, #tpu.memory_space<semaphore_mem>>)
          %dma_wait3A = arith.constant 0 : i32
          %dma_wait3A_105 = tpu.memref_slice %arg6[%add3A_100, %dma_wait3A] : memref<161280x128xf32, #tpu.memory_space<hbm>> -> memref<672x128xf32, #tpu.memory_space<hbm>>
          %dma_wait3A_106 = arith.constant 0 : i32
          %dma_wait3A_107 = tpu.memref_slice %arg21[%mul3A_97, %dma_wait3A_106] : memref<10880x128xf32, #tpu.memory_space<vmem_shared>> -> memref<672x128xf32, #tpu.memory_space<vmem_shared>>
          tpu.wait_dma2 semaphore(%run_scoped3A : memref<!tpu.dma_semaphore, #tpu.memory_space<semaphore_mem>>) src(%dma_wait3A_107 : memref<672x128xf32, #tpu.memory_space<vmem_shared>>) dst(%dma_wait3A_105 : memref<672x128xf32, #tpu.memory_space<hbm>>)
          tpu.yield
        }) : () -> ()
      } else {
      }
      %eq3A_74 = arith.constant 1 : i32
      %eq3A_75 = arith.cmpi eq, %arg0, %eq3A_74 : i32
      %convert_element_type3A_76 = arith.extui %eq3A_75 : i1 to i32
      %cond3A_77 = arith.constant 0 : i32
      %cond3A_78 = arith.cmpi ne, %convert_element_type3A_76, %cond3A_77 : i32
      scf.if %cond3A_78 {
        %mul3A_96 = arith.constant 672 : i32
        %mul3A_97 = arith.muli %arg1, %mul3A_96 : i32
        %mul3A_98 = arith.constant 672 : i32
        %mul3A_99 = arith.muli %arg1, %mul3A_98 : i32
        %add3A_100 = arith.addi %mul3A_36, %mul3A_99 : i32
        "tpu.region"() ({
          %run_scoped3A = tpu.sem_alloc : memref<!tpu.dma_semaphore, #tpu.memory_space<semaphore_mem>>
          %dma_start3A_101 = arith.constant 0 : i32
          %dma_start3A_102 = tpu.memref_slice %arg7[%add3A_100, %dma_start3A_101] : memref<161280x128xf32, #tpu.memory_space<hbm>> -> memref<672x128xf32, #tpu.memory_space<hbm>>
          %dma_start3A_103 = arith.constant 0 : i32
          %dma_start3A_104 = tpu.memref_slice %arg21[%mul3A_97, %dma_start3A_103] : memref<10880x128xf32, #tpu.memory_space<vmem_shared>> -> memref<672x128xf32, #tpu.memory_space<vmem_shared>>
          tpu.enqueue_dma source(%dma_start3A_104 : memref<672x128xf32, #tpu.memory_space<vmem_shared>>) target(%dma_start3A_102 : memref<672x128xf32, #tpu.memory_space<hbm>>) target_semaphore(%run_scoped3A : memref<!tpu.dma_semaphore, #tpu.memory_space<semaphore_mem>>)
          %dma_wait3A = arith.constant 0 : i32
          %dma_wait3A_105 = tpu.memref_slice %arg7[%add3A_100, %dma_wait3A] : memref<161280x128xf32, #tpu.memory_space<hbm>> -> memref<672x128xf32, #tpu.memory_space<hbm>>
          %dma_wait3A_106 = arith.constant 0 : i32
          %dma_wait3A_107 = tpu.memref_slice %arg21[%mul3A_97, %dma_wait3A_106] : memref<10880x128xf32, #tpu.memory_space<vmem_shared>> -> memref<672x128xf32, #tpu.memory_space<vmem_shared>>
          tpu.wait_dma2 semaphore(%run_scoped3A : memref<!tpu.dma_semaphore, #tpu.memory_space<semaphore_mem>>) src(%dma_wait3A_107 : memref<672x128xf32, #tpu.memory_space<vmem_shared>>) dst(%dma_wait3A_105 : memref<672x128xf32, #tpu.memory_space<hbm>>)
          tpu.yield
        }) : () -> ()
      } else {
      }
      %eq3A_79 = arith.constant 1 : i32
      %eq3A_80 = arith.cmpi eq, %arg1, %eq3A_79 : i32
      %eq3A_81 = arith.constant 0 : i32
      %eq3A_82 = arith.cmpi eq, %arg0, %eq3A_81 : i32
      %and3A = arith.andi %eq3A_80, %eq3A_82 : i1
      %convert_element_type3A_83 = arith.extui %and3A : i1 to i32
      %cond3A_84 = arith.constant 0 : i32
      %cond3A_85 = arith.cmpi ne, %convert_element_type3A_83, %cond3A_84 : i32
      scf.if %cond3A_85 {
        %scan3A_96 = arith.constant 0 : i32
        %scan3A_97 = arith.constant 0 : i32
        %scan3A_98 = arith.constant 8 : i32
        %scan3A_99 = arith.addi %scan3A_97, %scan3A_98 : i32
        %scan3A_100 = arith.constant 1 : i32
        %scan3A_101 = scf.for %scan3A_103 = %scan3A_97 to %scan3A_99 step %scan3A_100 iter_args(%scan3A_104 = %scan3A_96) -> (i32)  : i32 {
          %mul3A_105 = arith.constant 1344 : i32
          %mul3A_106 = arith.muli %scan3A_103, %mul3A_105 : i32
          "tpu.region"() ({
            %run_scoped3A = tpu.sem_alloc : memref<!tpu.dma_semaphore, #tpu.memory_space<semaphore_mem>>
            %dma_start3A_111 = tpu.memref_slice %arg22[%mul3A_106] : memref<10880xf32, #tpu.memory_space<vmem_shared>> -> memref<1344xf32, #tpu.memory_space<vmem_shared>>
            %dma_start3A_112 = tpu.memref_slice %arg22[%mul3A_106] : memref<10880xf32, #tpu.memory_space<vmem_shared>> -> memref<1344xf32, #tpu.memory_space<vmem_shared>>
            tpu.enqueue_dma source(%dma_start3A_112 : memref<1344xf32, #tpu.memory_space<vmem_shared>>) target(%arg19 : memref<1344xf32, #tpu.memory_space<vmem>>) target_semaphore(%run_scoped3A : memref<!tpu.dma_semaphore, #tpu.memory_space<semaphore_mem>>)
            %dma_wait3A = tpu.memref_slice %arg22[%mul3A_106] : memref<10880xf32, #tpu.memory_space<vmem_shared>> -> memref<1344xf32, #tpu.memory_space<vmem_shared>>
            %dma_wait3A_113 = tpu.memref_slice %arg22[%mul3A_106] : memref<10880xf32, #tpu.memory_space<vmem_shared>> -> memref<1344xf32, #tpu.memory_space<vmem_shared>>
            tpu.wait_dma2 semaphore(%run_scoped3A : memref<!tpu.dma_semaphore, #tpu.memory_space<semaphore_mem>>) src(%dma_wait3A_113 : memref<1344xf32, #tpu.memory_space<vmem_shared>>) dst(%arg19 : memref<1344xf32, #tpu.memory_space<vmem>>)
            tpu.yield
          }) : () -> ()
          %mul3A_107 = arith.constant 1344 : i32
          %mul3A_108 = arith.muli %scan3A_103, %mul3A_107 : i32
          %add3A_109 = arith.addi %mul3A_36, %mul3A_108 : i32
          "tpu.region"() ({
            %run_scoped3A = tpu.sem_alloc : memref<!tpu.dma_semaphore, #tpu.memory_space<semaphore_mem>>
            %dma_start3A_111 = tpu.memref_slice %arg8[%add3A_109] : memref<161280xf32, #tpu.memory_space<hbm>> -> memref<1344xf32, #tpu.memory_space<hbm>>
            %dma_start3A_112 = tpu.memref_slice %arg8[%add3A_109] : memref<161280xf32, #tpu.memory_space<hbm>> -> memref<1344xf32, #tpu.memory_space<hbm>>
            tpu.enqueue_dma source(%arg19 : memref<1344xf32, #tpu.memory_space<vmem>>) target(%dma_start3A_112 : memref<1344xf32, #tpu.memory_space<hbm>>) target_semaphore(%run_scoped3A : memref<!tpu.dma_semaphore, #tpu.memory_space<semaphore_mem>>)
            %dma_wait3A = tpu.memref_slice %arg8[%add3A_109] : memref<161280xf32, #tpu.memory_space<hbm>> -> memref<1344xf32, #tpu.memory_space<hbm>>
            %dma_wait3A_113 = tpu.memref_slice %arg8[%add3A_109] : memref<161280xf32, #tpu.memory_space<hbm>> -> memref<1344xf32, #tpu.memory_space<hbm>>
            tpu.wait_dma2 semaphore(%run_scoped3A : memref<!tpu.dma_semaphore, #tpu.memory_space<semaphore_mem>>) src(%arg19 : memref<1344xf32, #tpu.memory_space<vmem>>) dst(%dma_wait3A_113 : memref<1344xf32, #tpu.memory_space<hbm>>)
            tpu.yield
          }) : () -> ()
          %scan3A_110 = arith.constant 0 : i32
          scf.yield %scan3A_110 : i32
        }
        %scan3A_102 = arith.constant 8 : i32
      } else {
      }
      %eq3A_86 = arith.constant 1 : i32
      %eq3A_87 = arith.cmpi eq, %arg1, %eq3A_86 : i32
      %eq3A_88 = arith.constant 1 : i32
      %eq3A_89 = arith.cmpi eq, %arg0, %eq3A_88 : i32
      %and3A_90 = arith.andi %eq3A_87, %eq3A_89 : i1
      %convert_element_type3A_91 = arith.extui %and3A_90 : i1 to i32
      %cond3A_92 = arith.constant 0 : i32
      %cond3A_93 = arith.cmpi ne, %convert_element_type3A_91, %cond3A_92 : i32
      scf.if %cond3A_93 {
        %scan3A_96 = arith.constant 0 : i32
        %scan3A_97 = arith.constant 0 : i32
        %scan3A_98 = arith.constant 8 : i32
        %scan3A_99 = arith.addi %scan3A_97, %scan3A_98 : i32
        %scan3A_100 = arith.constant 1 : i32
        %scan3A_101 = scf.for %scan3A_103 = %scan3A_97 to %scan3A_99 step %scan3A_100 iter_args(%scan3A_104 = %scan3A_96) -> (i32)  : i32 {
          %mul3A_105 = arith.constant 1344 : i32
          %mul3A_106 = arith.muli %scan3A_103, %mul3A_105 : i32
          "tpu.region"() ({
            %run_scoped3A = tpu.sem_alloc : memref<!tpu.dma_semaphore, #tpu.memory_space<semaphore_mem>>
            %dma_start3A_111 = tpu.memref_slice %arg22[%mul3A_106] : memref<10880xf32, #tpu.memory_space<vmem_shared>> -> memref<1344xf32, #tpu.memory_space<vmem_shared>>
            %dma_start3A_112 = tpu.memref_slice %arg22[%mul3A_106] : memref<10880xf32, #tpu.memory_space<vmem_shared>> -> memref<1344xf32, #tpu.memory_space<vmem_shared>>
            tpu.enqueue_dma source(%dma_start3A_112 : memref<1344xf32, #tpu.memory_space<vmem_shared>>) target(%arg19 : memref<1344xf32, #tpu.memory_space<vmem>>) target_semaphore(%run_scoped3A : memref<!tpu.dma_semaphore, #tpu.memory_space<semaphore_mem>>)
            %dma_wait3A = tpu.memref_slice %arg22[%mul3A_106] : memref<10880xf32, #tpu.memory_space<vmem_shared>> -> memref<1344xf32, #tpu.memory_space<vmem_shared>>
            %dma_wait3A_113 = tpu.memref_slice %arg22[%mul3A_106] : memref<10880xf32, #tpu.memory_space<vmem_shared>> -> memref<1344xf32, #tpu.memory_space<vmem_shared>>
            tpu.wait_dma2 semaphore(%run_scoped3A : memref<!tpu.dma_semaphore, #tpu.memory_space<semaphore_mem>>) src(%dma_wait3A_113 : memref<1344xf32, #tpu.memory_space<vmem_shared>>) dst(%arg19 : memref<1344xf32, #tpu.memory_space<vmem>>)
            tpu.yield
          }) : () -> ()
          %mul3A_107 = arith.constant 1344 : i32
          %mul3A_108 = arith.muli %scan3A_103, %mul3A_107 : i32
          %add3A_109 = arith.addi %mul3A_36, %mul3A_108 : i32
          "tpu.region"() ({
            %run_scoped3A = tpu.sem_alloc : memref<!tpu.dma_semaphore, #tpu.memory_space<semaphore_mem>>
            %dma_start3A_111 = tpu.memref_slice %arg9[%add3A_109] : memref<161280xf32, #tpu.memory_space<hbm>> -> memref<1344xf32, #tpu.memory_space<hbm>>
            %dma_start3A_112 = tpu.memref_slice %arg9[%add3A_109] : memref<161280xf32, #tpu.memory_space<hbm>> -> memref<1344xf32, #tpu.memory_space<hbm>>
            tpu.enqueue_dma source(%arg19 : memref<1344xf32, #tpu.memory_space<vmem>>) target(%dma_start3A_112 : memref<1344xf32, #tpu.memory_space<hbm>>) target_semaphore(%run_scoped3A : memref<!tpu.dma_semaphore, #tpu.memory_space<semaphore_mem>>)
            %dma_wait3A = tpu.memref_slice %arg9[%add3A_109] : memref<161280xf32, #tpu.memory_space<hbm>> -> memref<1344xf32, #tpu.memory_space<hbm>>
            %dma_wait3A_113 = tpu.memref_slice %arg9[%add3A_109] : memref<161280xf32, #tpu.memory_space<hbm>> -> memref<1344xf32, #tpu.memory_space<hbm>>
            tpu.wait_dma2 semaphore(%run_scoped3A : memref<!tpu.dma_semaphore, #tpu.memory_space<semaphore_mem>>) src(%arg19 : memref<1344xf32, #tpu.memory_space<vmem>>) dst(%dma_wait3A_113 : memref<1344xf32, #tpu.memory_space<hbm>>)
            tpu.yield
          }) : () -> ()
          %scan3A_110 = arith.constant 0 : i32
          scf.yield %scan3A_110 : i32
        }
        %scan3A_102 = arith.constant 8 : i32
      } else {
      }
      %barrier3A_94 = arith.constant 0 : index
      tpu.barrier barrier_id(%barrier3A_94)
      %scan3A_95 = arith.constant 0 : i32
      scf.yield %scan3A_95 : i32
    }
    %scan3A_32 = arith.constant 15 : i32
    return
  }
}

module attributes {stable_mosaic.version = 14 : i64} {
  func.func @_node_tables_body(%arg0: i32, %arg1: memref<1000x144xf32, #tpu.memory_space<vmem>>, %arg2: memref<144x128xf32, #tpu.memory_space<vmem>>, %arg3: memref<1x128xf32, #tpu.memory_space<vmem>>, %arg4: memref<1000x128xf32, #tpu.memory_space<vmem>>) attributes {dimension_semantics = [#tpu.dimension_semantics<arbitrary>], iteration_bounds = array<i64: 10>, scalar_prefetch = 0 : i64, scratch_operands = 0 : i64, tpu.core_type = #tpu.core_type<tc>, window_params = [{transform_indices = @transform_0, window_bounds = array<i64: 1000, 144>}, {pipeline_mode = #tpu.pipeline_mode<synchronous>, transform_indices = @transform_1, window_bounds = array<i64: 144, 128>}, {pipeline_mode = #tpu.pipeline_mode<synchronous>, transform_indices = @transform_2, window_bounds = array<i64: 1, 128>}, {transform_indices = @transform_3, window_bounds = array<i64: 1000, 128>}]} {
    %get3A = arith.constant 0 : index
    %get3A_0 = arith.constant 0 : index
    %get3A_1 = vector.load %arg1[%get3A, %get3A_0] : memref<1000x144xf32, #tpu.memory_space<vmem>>, vector<1000x144xf32>
    %get3A_2 = arith.constant 0 : index
    %get3A_3 = arith.constant 0 : index
    %get3A_4 = vector.load %arg2[%get3A_2, %get3A_3] : memref<144x128xf32, #tpu.memory_space<vmem>>, vector<144x128xf32>
    %dot_general3A = arith.constant dense<0.000000e+00> : vector<1000x128xf32>
    %dot_general3A_5 = tpu.matmul %get3A_1, %get3A_4, %dot_general3A {dimension_numbers = #tpu.dot_dimension_numbers<[1], [0], [0], [1], [0, 0, 1, 1], [], []>, precision = #tpu.contract_precision<fp32>, transpose_lhs_hint = false} : vector<1000x144xf32>, vector<144x128xf32>, vector<1000x128xf32> -> vector<1000x128xf32>
    %get3A_6 = arith.constant 0 : index
    %get3A_7 = arith.constant 0 : index
    %get3A_8 = vector.load %arg3[%get3A_6, %get3A_7] : memref<1x128xf32, #tpu.memory_space<vmem>>, vector<1x128xf32>
    %add3A = vector.broadcast %get3A_8 : vector<1x128xf32> to vector<1000x128xf32>
    %add3A_9 = arith.addf %dot_general3A_5, %add3A : vector<1000x128xf32>
    %swap3A = arith.constant 0 : index
    %swap3A_10 = arith.constant 0 : index
    %swap3A_11 = vector.load %arg4[%swap3A, %swap3A_10] : memref<1000x128xf32, #tpu.memory_space<vmem>>, vector<1000x128xf32>
    tpu.vector_store %arg4[%swap3A, %swap3A_10], %add3A_9 {strides = array<i32>} : memref<1000x128xf32, #tpu.memory_space<vmem>>, vector<1000x128xf32>,
    return
  }
  func.func @transform_0(%arg0: i32) -> (i32, i32) {
    %c0_i32 = arith.constant 0 : i32
    %c0_i32_0 = arith.constant 0 : i32
    return %arg0, %c0_i32 : i32, i32
  }
  func.func @transform_1(%arg0: i32) -> (i32, i32) {
    %c0_i32 = arith.constant 0 : i32
    %c0_i32_0 = arith.constant 0 : i32
    %c0_i32_1 = arith.constant 0 : i32
    return %c0_i32, %c0_i32_0 : i32, i32
  }
  func.func @transform_2(%arg0: i32) -> (i32, i32) {
    %c0_i32 = arith.constant 0 : i32
    %c0_i32_0 = arith.constant 0 : i32
    %c0_i32_1 = arith.constant 0 : i32
    return %c0_i32, %c0_i32_0 : i32, i32
  }
  func.func @transform_3(%arg0: i32) -> (i32, i32) {
    %c0_i32 = arith.constant 0 : i32
    %c0_i32_0 = arith.constant 0 : i32
    return %arg0, %c0_i32 : i32, i32
  }
}

module attributes {stable_mosaic.version = 14 : i64} {
  func.func @_pair_math_body(%arg0: i32, %arg1: memref<2000x64xf32, #tpu.memory_space<vmem>>, %arg2: memref<16x256xf32, #tpu.memory_space<vmem>>, %arg3: memref<16x256xf32, #tpu.memory_space<vmem>>, %arg4: memref<256x128xf32, #tpu.memory_space<vmem>>, %arg5: memref<1x128xf32, #tpu.memory_space<vmem>>, %arg6: memref<64x128xf32, #tpu.memory_space<vmem>>, %arg7: memref<1x128xf32, #tpu.memory_space<vmem>>, %arg8: memref<2000x128xf32, #tpu.memory_space<vmem>>) attributes {dimension_semantics = [#tpu.dimension_semantics<arbitrary>], iteration_bounds = array<i64: 320>, scalar_prefetch = 0 : i64, scratch_operands = 0 : i64, tpu.core_type = #tpu.core_type<tc>, window_params = [{transform_indices = @transform_0, window_bounds = array<i64: 2000, 64>}, {pipeline_mode = #tpu.pipeline_mode<synchronous>, transform_indices = @transform_1, window_bounds = array<i64: 16, 256>}, {pipeline_mode = #tpu.pipeline_mode<synchronous>, transform_indices = @transform_2, window_bounds = array<i64: 16, 256>}, {pipeline_mode = #tpu.pipeline_mode<synchronous>, transform_indices = @transform_3, window_bounds = array<i64: 256, 128>}, {pipeline_mode = #tpu.pipeline_mode<synchronous>, transform_indices = @transform_4, window_bounds = array<i64: 1, 128>}, {pipeline_mode = #tpu.pipeline_mode<synchronous>, transform_indices = @transform_5, window_bounds = array<i64: 64, 128>}, {pipeline_mode = #tpu.pipeline_mode<synchronous>, transform_indices = @transform_6, window_bounds = array<i64: 1, 128>}, {transform_indices = @transform_7, window_bounds = array<i64: 2000, 128>}]} {
    %get3A = arith.constant 0 : index
    %get3A_0 = arith.constant 0 : index
    %get3A_1 = vector.load %arg1[%get3A, %get3A_0] : memref<2000x64xf32, #tpu.memory_space<vmem>>, vector<2000x64xf32>
    %slice3A = vector.extract_strided_slice %get3A_1 {offsets = [0, 0], sizes = [2000, 16], strides = [1, 1]} : vector<2000x64xf32> to vector<2000x16xf32>
    %slice3A_2 = vector.extract_strided_slice %get3A_1 {offsets = [0, 16], sizes = [2000, 16], strides = [1, 1]} : vector<2000x64xf32> to vector<2000x16xf32>
    %get3A_3 = arith.constant 0 : index
    %get3A_4 = arith.constant 0 : index
    %get3A_5 = vector.load %arg2[%get3A_3, %get3A_4] : memref<16x256xf32, #tpu.memory_space<vmem>>, vector<16x256xf32>
    %dot_general3A = arith.constant dense<0.000000e+00> : vector<2000x256xf32>
    %dot_general3A_6 = tpu.matmul %slice3A, %get3A_5, %dot_general3A {dimension_numbers = #tpu.dot_dimension_numbers<[1], [0], [0], [1], [0, 0, 1, 1], [], []>, precision = #tpu.contract_precision<fp32>, transpose_lhs_hint = false} : vector<2000x16xf32>, vector<16x256xf32>, vector<2000x256xf32> -> vector<2000x256xf32>
    %get3A_7 = arith.constant 0 : index
    %get3A_8 = arith.constant 0 : index
    %get3A_9 = vector.load %arg3[%get3A_7, %get3A_8] : memref<16x256xf32, #tpu.memory_space<vmem>>, vector<16x256xf32>
    %dot_general3A_10 = arith.constant dense<0.000000e+00> : vector<2000x256xf32>
    %dot_general3A_11 = tpu.matmul %slice3A_2, %get3A_9, %dot_general3A_10 {dimension_numbers = #tpu.dot_dimension_numbers<[1], [0], [0], [1], [0, 0, 1, 1], [], []>, precision = #tpu.contract_precision<fp32>, transpose_lhs_hint = false} : vector<2000x16xf32>, vector<16x256xf32>, vector<2000x256xf32> -> vector<2000x256xf32>
    %mul3A = arith.mulf %dot_general3A_6, %dot_general3A_11 : vector<2000x256xf32>
    %get3A_12 = arith.constant 0 : index
    %get3A_13 = arith.constant 0 : index
    %get3A_14 = vector.load %arg4[%get3A_12, %get3A_13] : memref<256x128xf32, #tpu.memory_space<vmem>>, vector<256x128xf32>
    %dot_general3A_15 = arith.constant dense<0.000000e+00> : vector<2000x128xf32>
    %dot_general3A_16 = tpu.matmul %mul3A, %get3A_14, %dot_general3A_15 {dimension_numbers = #tpu.dot_dimension_numbers<[1], [0], [0], [1], [0, 0, 1, 1], [], []>, transpose_lhs_hint = false} : vector<2000x256xf32>, vector<256x128xf32>, vector<2000x128xf32> -> vector<2000x128xf32>
    %get3A_17 = arith.constant 0 : index
    %get3A_18 = arith.constant 0 : index
    %get3A_19 = vector.load %arg5[%get3A_17, %get3A_18] : memref<1x128xf32, #tpu.memory_space<vmem>>, vector<1x128xf32>
    %add3A = vector.broadcast %get3A_19 : vector<1x128xf32> to vector<2000x128xf32>
    %add3A_20 = arith.addf %dot_general3A_16, %add3A : vector<2000x128xf32>
    %slice3A_21 = vector.extract_strided_slice %get3A_1 {offsets = [0, 32], sizes = [2000, 16], strides = [1, 1]} : vector<2000x64xf32> to vector<2000x16xf32>
    %slice3A_22 = vector.extract_strided_slice %get3A_1 {offsets = [0, 48], sizes = [2000, 16], strides = [1, 1]} : vector<2000x64xf32> to vector<2000x16xf32>
    %sub3A = arith.subf %slice3A_21, %slice3A_22 : vector<2000x16xf32>
    %add3A_23 = arith.constant 9.99999993E-9 : f32
    %add3A_24 = vector.broadcast %add3A_23 : f32 to vector<2000x16xf32>
    %add3A_25 = arith.addf %sub3A, %add3A_24 : vector<2000x16xf32>
    %mul3A_26 = arith.mulf %add3A_25, %add3A_25 : vector<2000x16xf32>
    %reduce_sum3A = arith.constant dense<0.000000e+00> : vector<2000xf32>
    %reduce_sum3A_27 = vector.multi_reduction <add>, %mul3A_26, %reduce_sum3A [1] : vector<2000x16xf32> to vector<2000xf32>
    %broadcast_in_dim3A = vector.shape_cast %reduce_sum3A_27 : vector<2000xf32> to vector<2000x1xf32>
    %sqrt3A = math.sqrt %broadcast_in_dim3A : vector<2000x1xf32>
    %iota3A = tpu.iota {dimensions = array<i32: 1>} : vector<1x64xi32>
    %convert_element_type3A = arith.sitofp %iota3A : vector<1x64xi32> to vector<1x64xf32>
    %mul3A_28 = arith.constant 0.317460328 : f32
    %mul3A_29 = vector.broadcast %mul3A_28 : f32 to vector<1x64xf32>
    %mul3A_30 = arith.mulf %convert_element_type3A, %mul3A_29 : vector<1x64xf32>
    %sub3A_31 = vector.broadcast %sqrt3A : vector<2000x1xf32> to vector<2000x64xf32>
    %sub3A_32 = vector.broadcast %mul3A_30 : vector<1x64xf32> to vector<2000x64xf32>
    %sub3A_33 = arith.subf %sub3A_31, %sub3A_32 : vector<2000x64xf32>
    %mul3A_34 = arith.constant 3.200000e+00 : f32
    %mul3A_35 = vector.broadcast %mul3A_34 : f32 to vector<2000x64xf32>
    %mul3A_36 = arith.mulf %sub3A_33, %mul3A_35 : vector<2000x64xf32>
    %mul3A_37 = arith.mulf %mul3A_36, %mul3A_36 : vector<2000x64xf32>
    %neg3A = arith.constant 0.000000e+00 : f32
    %neg3A_38 = vector.broadcast %neg3A : f32 to vector<2000x64xf32>
    %neg3A_39 = arith.subf %neg3A_38, %mul3A_37 : vector<2000x64xf32>
    %exp3A = math.exp %neg3A_39 : vector<2000x64xf32>
    %get3A_40 = arith.constant 0 : index
    %get3A_41 = arith.constant 0 : index
    %get3A_42 = vector.load %arg6[%get3A_40, %get3A_41] : memref<64x128xf32, #tpu.memory_space<vmem>>, vector<64x128xf32>
    %dot_general3A_43 = arith.constant dense<0.000000e+00> : vector<2000x128xf32>
    %dot_general3A_44 = tpu.matmul %exp3A, %get3A_42, %dot_general3A_43 {dimension_numbers = #tpu.dot_dimension_numbers<[1], [0], [0], [1], [0, 0, 1, 1], [], []>, precision = #tpu.contract_precision<fp32>, transpose_lhs_hint = false} : vector<2000x64xf32>, vector<64x128xf32>, vector<2000x128xf32> -> vector<2000x128xf32>
    %get3A_45 = arith.constant 0 : index
    %get3A_46 = arith.constant 0 : index
    %get3A_47 = vector.load %arg7[%get3A_45, %get3A_46] : memref<1x128xf32, #tpu.memory_space<vmem>>, vector<1x128xf32>
    %add3A_48 = vector.broadcast %get3A_47 : vector<1x128xf32> to vector<2000x128xf32>
    %add3A_49 = arith.addf %dot_general3A_44, %add3A_48 : vector<2000x128xf32>
    %neg3A_50 = arith.constant 0.000000e+00 : f32
    %neg3A_51 = vector.broadcast %neg3A_50 : f32 to vector<2000x128xf32>
    %neg3A_52 = arith.subf %neg3A_51, %add3A_20 : vector<2000x128xf32>
    %exp3A_53 = math.exp %neg3A_52 : vector<2000x128xf32>
    %add3A_54 = arith.constant 1.000000e+00 : f32
    %add3A_55 = vector.broadcast %add3A_54 : f32 to vector<2000x128xf32>
    %add3A_56 = arith.addf %add3A_55, %exp3A_53 : vector<2000x128xf32>
    %div3A = arith.constant 1.000000e+00 : f32
    %div3A_57 = vector.broadcast %div3A : f32 to vector<2000x128xf32>
    %div3A_58 = arith.divf %div3A_57, %add3A_56 : vector<2000x128xf32>
    %mul3A_59 = arith.mulf %div3A_58, %add3A_49 : vector<2000x128xf32>
    %swap3A = arith.constant 0 : index
    %swap3A_60 = arith.constant 0 : index
    %swap3A_61 = vector.load %arg8[%swap3A, %swap3A_60] : memref<2000x128xf32, #tpu.memory_space<vmem>>, vector<2000x128xf32>
    tpu.vector_store %arg8[%swap3A, %swap3A_60], %mul3A_59 {strides = array<i32>} : memref<2000x128xf32, #tpu.memory_space<vmem>>, vector<2000x128xf32>,
    return
  }
  func.func @transform_0(%arg0: i32) -> (i32, i32) {
    %c0_i32 = arith.constant 0 : i32
    %c0_i32_0 = arith.constant 0 : i32
    return %arg0, %c0_i32 : i32, i32
  }
  func.func @transform_1(%arg0: i32) -> (i32, i32) {
    %c0_i32 = arith.constant 0 : i32
    %c0_i32_0 = arith.constant 0 : i32
    %c0_i32_1 = arith.constant 0 : i32
    return %c0_i32, %c0_i32_0 : i32, i32
  }
  func.func @transform_2(%arg0: i32) -> (i32, i32) {
    %c0_i32 = arith.constant 0 : i32
    %c0_i32_0 = arith.constant 0 : i32
    %c0_i32_1 = arith.constant 0 : i32
    return %c0_i32, %c0_i32_0 : i32, i32
  }
  func.func @transform_3(%arg0: i32) -> (i32, i32) {
    %c0_i32 = arith.constant 0 : i32
    %c0_i32_0 = arith.constant 0 : i32
    %c0_i32_1 = arith.constant 0 : i32
    return %c0_i32, %c0_i32_0 : i32, i32
  }
  func.func @transform_4(%arg0: i32) -> (i32, i32) {
    %c0_i32 = arith.constant 0 : i32
    %c0_i32_0 = arith.constant 0 : i32
    %c0_i32_1 = arith.constant 0 : i32
    return %c0_i32, %c0_i32_0 : i32, i32
  }
  func.func @transform_5(%arg0: i32) -> (i32, i32) {
    %c0_i32 = arith.constant 0 : i32
    %c0_i32_0 = arith.constant 0 : i32
    %c0_i32_1 = arith.constant 0 : i32
    return %c0_i32, %c0_i32_0 : i32, i32
  }
  func.func @transform_6(%arg0: i32) -> (i32, i32) {
    %c0_i32 = arith.constant 0 : i32
    %c0_i32_0 = arith.constant 0 : i32
    %c0_i32_1 = arith.constant 0 : i32
    return %c0_i32, %c0_i32_0 : i32, i32
  }
  func.func @transform_7(%arg0: i32) -> (i32, i32) {
    %c0_i32 = arith.constant 0 : i32
    %c0_i32_0 = arith.constant 0 : i32
    return %arg0, %c0_i32 : i32, i32
  }
}

module attributes {stable_mosaic.version = 14 : i64} {
  func.func @_edge_pre_body(%arg0: i32, %arg1: memref<2000x128xf32, #tpu.memory_space<vmem>>, %arg2: memref<1x128xf32, #tpu.memory_space<vmem>>, %arg3: memref<1x128xf32, #tpu.memory_space<vmem>>, %arg4: memref<128x128xf32, #tpu.memory_space<vmem>>, %arg5: memref<1x128xf32, #tpu.memory_space<vmem>>, %arg6: memref<128x128xf32, #tpu.memory_space<vmem>>, %arg7: memref<1x128xf32, #tpu.memory_space<vmem>>, %arg8: memref<128x128xf32, #tpu.memory_space<vmem>>, %arg9: memref<1x128xf32, #tpu.memory_space<vmem>>, %arg10: memref<2000x128xf32, #tpu.memory_space<vmem>>, %arg11: memref<2000x128xf32, #tpu.memory_space<vmem>>) attributes {dimension_semantics = [#tpu.dimension_semantics<arbitrary>], iteration_bounds = array<i64: 80>, scalar_prefetch = 0 : i64, scratch_operands = 0 : i64, tpu.core_type = #tpu.core_type<tc>, window_params = [{transform_indices = @transform_0, window_bounds = array<i64: 2000, 128>}, {pipeline_mode = #tpu.pipeline_mode<synchronous>, transform_indices = @transform_1, window_bounds = array<i64: 1, 128>}, {pipeline_mode = #tpu.pipeline_mode<synchronous>, transform_indices = @transform_2, window_bounds = array<i64: 1, 128>}, {pipeline_mode = #tpu.pipeline_mode<synchronous>, transform_indices = @transform_3, window_bounds = array<i64: 128, 128>}, {pipeline_mode = #tpu.pipeline_mode<synchronous>, transform_indices = @transform_4, window_bounds = array<i64: 1, 128>}, {pipeline_mode = #tpu.pipeline_mode<synchronous>, transform_indices = @transform_5, window_bounds = array<i64: 128, 128>}, {pipeline_mode = #tpu.pipeline_mode<synchronous>, transform_indices = @transform_6, window_bounds = array<i64: 1, 128>}, {pipeline_mode = #tpu.pipeline_mode<synchronous>, transform_indices = @transform_7, window_bounds = array<i64: 128, 128>}, {pipeline_mode = #tpu.pipeline_mode<synchronous>, transform_indices = @transform_8, window_bounds = array<i64: 1, 128>}, {transform_indices = @transform_9, window_bounds = array<i64: 2000, 128>}, {transform_indices = @transform_10, window_bounds = array<i64: 2000, 128>}]} {
    %get3A = arith.constant 0 : index
    %get3A_0 = arith.constant 0 : index
    %get3A_1 = vector.load %arg1[%get3A, %get3A_0] : memref<2000x128xf32, #tpu.memory_space<vmem>>, vector<2000x128xf32>
    %reduce_sum3A = arith.constant dense<0.000000e+00> : vector<2000xf32>
    %reduce_sum3A_2 = vector.multi_reduction <add>, %get3A_1, %reduce_sum3A [1] : vector<2000x128xf32> to vector<2000xf32>
    %broadcast_in_dim3A = vector.shape_cast %reduce_sum3A_2 : vector<2000xf32> to vector<2000x1xf32>
    %div3A = arith.constant 1.280000e+02 : f32
    %div3A_3 = vector.broadcast %div3A : f32 to vector<2000x1xf32>
    %div3A_4 = arith.divf %broadcast_in_dim3A, %div3A_3 : vector<2000x1xf32>
    %sub3A = vector.broadcast %div3A_4 : vector<2000x1xf32> to vector<2000x128xf32>
    %sub3A_5 = arith.subf %get3A_1, %sub3A : vector<2000x128xf32>
    %sub3A_6 = vector.broadcast %div3A_4 : vector<2000x1xf32> to vector<2000x128xf32>
    %sub3A_7 = arith.subf %get3A_1, %sub3A_6 : vector<2000x128xf32>
    %mul3A = arith.mulf %sub3A_5, %sub3A_7 : vector<2000x128xf32>
    %reduce_sum3A_8 = arith.constant dense<0.000000e+00> : vector<2000xf32>
    %reduce_sum3A_9 = vector.multi_reduction <add>, %mul3A, %reduce_sum3A_8 [1] : vector<2000x128xf32> to vector<2000xf32>
    %broadcast_in_dim3A_10 = vector.shape_cast %reduce_sum3A_9 : vector<2000xf32> to vector<2000x1xf32>
    %div3A_11 = arith.constant 1.280000e+02 : f32
    %div3A_12 = vector.broadcast %div3A_11 : f32 to vector<2000x1xf32>
    %div3A_13 = arith.divf %broadcast_in_dim3A_10, %div3A_12 : vector<2000x1xf32>
    %sub3A_14 = vector.broadcast %div3A_4 : vector<2000x1xf32> to vector<2000x128xf32>
    %sub3A_15 = arith.subf %get3A_1, %sub3A_14 : vector<2000x128xf32>
    %add3A = arith.constant 9.99999974E-6 : f32
    %add3A_16 = vector.broadcast %add3A : f32 to vector<2000x1xf32>
    %add3A_17 = arith.addf %div3A_13, %add3A_16 : vector<2000x1xf32>
    %sqrt3A = math.sqrt %add3A_17 : vector<2000x1xf32>
    %div3A_18 = vector.broadcast %sqrt3A : vector<2000x1xf32> to vector<2000x128xf32>
    %div3A_19 = arith.divf %sub3A_15, %div3A_18 : vector<2000x128xf32>
    %get3A_20 = arith.constant 0 : index
    %get3A_21 = arith.constant 0 : index
    %get3A_22 = vector.load %arg2[%get3A_20, %get3A_21] : memref<1x128xf32, #tpu.memory_space<vmem>>, vector<1x128xf32>
    %mul3A_23 = vector.broadcast %get3A_22 : vector<1x128xf32> to vector<2000x128xf32>
    %mul3A_24 = arith.mulf %div3A_19, %mul3A_23 : vector<2000x128xf32>
    %get3A_25 = arith.constant 0 : index
    %get3A_26 = arith.constant 0 : index
    %get3A_27 = vector.load %arg3[%get3A_25, %get3A_26] : memref<1x128xf32, #tpu.memory_space<vmem>>, vector<1x128xf32>
    %add3A_28 = vector.broadcast %get3A_27 : vector<1x128xf32> to vector<2000x128xf32>
    %add3A_29 = arith.addf %mul3A_24, %add3A_28 : vector<2000x128xf32>
    %get3A_30 = arith.constant 0 : index
    %get3A_31 = arith.constant 0 : index
    %get3A_32 = vector.load %arg4[%get3A_30, %get3A_31] : memref<128x128xf32, #tpu.memory_space<vmem>>, vector<128x128xf32>
    %dot_general3A = arith.constant dense<0.000000e+00> : vector<2000x128xf32>
    %dot_general3A_33 = tpu.matmul %add3A_29, %get3A_32, %dot_general3A {dimension_numbers = #tpu.dot_dimension_numbers<[1], [0], [0], [1], [0, 0, 1, 1], [], []>, precision = #tpu.contract_precision<fp32>, transpose_lhs_hint = false} : vector<2000x128xf32>, vector<128x128xf32>, vector<2000x128xf32> -> vector<2000x128xf32>
    %get3A_34 = arith.constant 0 : index
    %get3A_35 = arith.constant 0 : index
    %get3A_36 = vector.load %arg5[%get3A_34, %get3A_35] : memref<1x128xf32, #tpu.memory_space<vmem>>, vector<1x128xf32>
    %add3A_37 = vector.broadcast %get3A_36 : vector<1x128xf32> to vector<2000x128xf32>
    %add3A_38 = arith.addf %dot_general3A_33, %add3A_37 : vector<2000x128xf32>
    %get3A_39 = arith.constant 0 : index
    %get3A_40 = arith.constant 0 : index
    %get3A_41 = vector.load %arg6[%get3A_39, %get3A_40] : memref<128x128xf32, #tpu.memory_space<vmem>>, vector<128x128xf32>
    %dot_general3A_42 = arith.constant dense<0.000000e+00> : vector<2000x128xf32>
    %dot_general3A_43 = tpu.matmul %add3A_29, %get3A_41, %dot_general3A_42 {dimension_numbers = #tpu.dot_dimension_numbers<[1], [0], [0], [1], [0, 0, 1, 1], [], []>, precision = #tpu.contract_precision<fp32>, transpose_lhs_hint = false} : vector<2000x128xf32>, vector<128x128xf32>, vector<2000x128xf32> -> vector<2000x128xf32>
    %get3A_44 = arith.constant 0 : index
    %get3A_45 = arith.constant 0 : index
    %get3A_46 = vector.load %arg7[%get3A_44, %get3A_45] : memref<1x128xf32, #tpu.memory_space<vmem>>, vector<1x128xf32>
    %add3A_47 = vector.broadcast %get3A_46 : vector<1x128xf32> to vector<2000x128xf32>
    %add3A_48 = arith.addf %dot_general3A_43, %add3A_47 : vector<2000x128xf32>
    %neg3A = arith.constant 0.000000e+00 : f32
    %neg3A_49 = vector.broadcast %neg3A : f32 to vector<2000x128xf32>
    %neg3A_50 = arith.subf %neg3A_49, %add3A_48 : vector<2000x128xf32>
    %exp3A = math.exp %neg3A_50 : vector<2000x128xf32>
    %add3A_51 = arith.constant 1.000000e+00 : f32
    %add3A_52 = vector.broadcast %add3A_51 : f32 to vector<2000x128xf32>
    %add3A_53 = arith.addf %add3A_52, %exp3A : vector<2000x128xf32>
    %div3A_54 = arith.constant 1.000000e+00 : f32
    %div3A_55 = vector.broadcast %div3A_54 : f32 to vector<2000x128xf32>
    %div3A_56 = arith.divf %div3A_55, %add3A_53 : vector<2000x128xf32>
    %mul3A_57 = arith.mulf %div3A_56, %add3A_38 : vector<2000x128xf32>
    %swap3A = arith.constant 0 : index
    %swap3A_58 = arith.constant 0 : index
    %swap3A_59 = vector.load %arg10[%swap3A, %swap3A_58] : memref<2000x128xf32, #tpu.memory_space<vmem>>, vector<2000x128xf32>
    tpu.vector_store %arg10[%swap3A, %swap3A_58], %mul3A_57 {strides = array<i32>} : memref<2000x128xf32, #tpu.memory_space<vmem>>, vector<2000x128xf32>,
    %get3A_60 = arith.constant 0 : index
    %get3A_61 = arith.constant 0 : index
    %get3A_62 = vector.load %arg8[%get3A_60, %get3A_61] : memref<128x128xf32, #tpu.memory_space<vmem>>, vector<128x128xf32>
    %dot_general3A_63 = arith.constant dense<0.000000e+00> : vector<2000x128xf32>
    %dot_general3A_64 = tpu.matmul %add3A_29, %get3A_62, %dot_general3A_63 {dimension_numbers = #tpu.dot_dimension_numbers<[1], [0], [0], [1], [0, 0, 1, 1], [], []>, precision = #tpu.contract_precision<fp32>, transpose_lhs_hint = false} : vector<2000x128xf32>, vector<128x128xf32>, vector<2000x128xf32> -> vector<2000x128xf32>
    %get3A_65 = arith.constant 0 : index
    %get3A_66 = arith.constant 0 : index
    %get3A_67 = vector.load %arg9[%get3A_65, %get3A_66] : memref<1x128xf32, #tpu.memory_space<vmem>>, vector<1x128xf32>
    %add3A_68 = vector.broadcast %get3A_67 : vector<1x128xf32> to vector<2000x128xf32>
    %add3A_69 = arith.addf %dot_general3A_64, %add3A_68 : vector<2000x128xf32>
    %neg3A_70 = arith.constant 0.000000e+00 : f32
    %neg3A_71 = vector.broadcast %neg3A_70 : f32 to vector<2000x128xf32>
    %neg3A_72 = arith.subf %neg3A_71, %add3A_69 : vector<2000x128xf32>
    %exp3A_73 = math.exp %neg3A_72 : vector<2000x128xf32>
    %add3A_74 = arith.constant 1.000000e+00 : f32
    %add3A_75 = vector.broadcast %add3A_74 : f32 to vector<2000x128xf32>
    %add3A_76 = arith.addf %add3A_75, %exp3A_73 : vector<2000x128xf32>
    %div3A_77 = arith.constant 1.000000e+00 : f32
    %div3A_78 = vector.broadcast %div3A_77 : f32 to vector<2000x128xf32>
    %div3A_79 = arith.divf %div3A_78, %add3A_76 : vector<2000x128xf32>
    %swap3A_80 = arith.constant 0 : index
    %swap3A_81 = arith.constant 0 : index
    %swap3A_82 = vector.load %arg11[%swap3A_80, %swap3A_81] : memref<2000x128xf32, #tpu.memory_space<vmem>>, vector<2000x128xf32>
    tpu.vector_store %arg11[%swap3A_80, %swap3A_81], %div3A_79 {strides = array<i32>} : memref<2000x128xf32, #tpu.memory_space<vmem>>, vector<2000x128xf32>,
    return
  }
  func.func @transform_0(%arg0: i32) -> (i32, i32) {
    %c0_i32 = arith.constant 0 : i32
    %c0_i32_0 = arith.constant 0 : i32
    return %arg0, %c0_i32 : i32, i32
  }
  func.func @transform_1(%arg0: i32) -> (i32, i32) {
    %c0_i32 = arith.constant 0 : i32
    %c0_i32_0 = arith.constant 0 : i32
    %c0_i32_1 = arith.constant 0 : i32
    return %c0_i32, %c0_i32_0 : i32, i32
  }
  func.func @transform_2(%arg0: i32) -> (i32, i32) {
    %c0_i32 = arith.constant 0 : i32
    %c0_i32_0 = arith.constant 0 : i32
    %c0_i32_1 = arith.constant 0 : i32
    return %c0_i32, %c0_i32_0 : i32, i32
  }
  func.func @transform_3(%arg0: i32) -> (i32, i32) {
    %c0_i32 = arith.constant 0 : i32
    %c0_i32_0 = arith.constant 0 : i32
    %c0_i32_1 = arith.constant 0 : i32
    return %c0_i32, %c0_i32_0 : i32, i32
  }
  func.func @transform_4(%arg0: i32) -> (i32, i32) {
    %c0_i32 = arith.constant 0 : i32
    %c0_i32_0 = arith.constant 0 : i32
    %c0_i32_1 = arith.constant 0 : i32
    return %c0_i32, %c0_i32_0 : i32, i32
  }
  func.func @transform_5(%arg0: i32) -> (i32, i32) {
    %c0_i32 = arith.constant 0 : i32
    %c0_i32_0 = arith.constant 0 : i32
    %c0_i32_1 = arith.constant 0 : i32
    return %c0_i32, %c0_i32_0 : i32, i32
  }
  func.func @transform_6(%arg0: i32) -> (i32, i32) {
    %c0_i32 = arith.constant 0 : i32
    %c0_i32_0 = arith.constant 0 : i32
    %c0_i32_1 = arith.constant 0 : i32
    return %c0_i32, %c0_i32_0 : i32, i32
  }
  func.func @transform_7(%arg0: i32) -> (i32, i32) {
    %c0_i32 = arith.constant 0 : i32
    %c0_i32_0 = arith.constant 0 : i32
    %c0_i32_1 = arith.constant 0 : i32
    return %c0_i32, %c0_i32_0 : i32, i32
  }
  func.func @transform_8(%arg0: i32) -> (i32, i32) {
    %c0_i32 = arith.constant 0 : i32
    %c0_i32_0 = arith.constant 0 : i32
    %c0_i32_1 = arith.constant 0 : i32
    return %c0_i32, %c0_i32_0 : i32, i32
  }
  func.func @transform_9(%arg0: i32) -> (i32, i32) {
    %c0_i32 = arith.constant 0 : i32
    %c0_i32_0 = arith.constant 0 : i32
    return %arg0, %c0_i32 : i32, i32
  }
  func.func @transform_10(%arg0: i32) -> (i32, i32) {
    %c0_i32 = arith.constant 0 : i32
    %c0_i32_0 = arith.constant 0 : i32
    return %arg0, %c0_i32 : i32, i32
  }
}

module attributes {stable_mosaic.version = 14 : i64} {
  func.func @_finalize_body(%arg0: i32, %arg1: memref<2000x128xf32, #tpu.memory_space<vmem>>, %arg2: memref<2000x128xf32, #tpu.memory_space<vmem>>, %arg3: memref<2000x128xf32, #tpu.memory_space<vmem>>, %arg4: memref<2000x128xf32, #tpu.memory_space<vmem>>, %arg5: memref<2000x1xf32, #tpu.memory_space<vmem>>, %arg6: memref<2000x1xf32, #tpu.memory_space<vmem>>, %arg7: memref<128x128xf32, #tpu.memory_space<vmem>>, %arg8: memref<1x128xf32, #tpu.memory_space<vmem>>, %arg9: memref<2000x128xf32, #tpu.memory_space<vmem>>) attributes {dimension_semantics = [#tpu.dimension_semantics<arbitrary>], iteration_bounds = array<i64: 80>, scalar_prefetch = 0 : i64, scratch_operands = 0 : i64, tpu.core_type = #tpu.core_type<tc>, window_params = [{transform_indices = @transform_0, window_bounds = array<i64: 2000, 128>}, {transform_indices = @transform_1, window_bounds = array<i64: 2000, 128>}, {transform_indices = @transform_2, window_bounds = array<i64: 2000, 128>}, {transform_indices = @transform_3, window_bounds = array<i64: 2000, 128>}, {transform_indices = @transform_4, window_bounds = array<i64: 2000, 1>}, {transform_indices = @transform_5, window_bounds = array<i64: 2000, 1>}, {pipeline_mode = #tpu.pipeline_mode<synchronous>, transform_indices = @transform_6, window_bounds = array<i64: 128, 128>}, {pipeline_mode = #tpu.pipeline_mode<synchronous>, transform_indices = @transform_7, window_bounds = array<i64: 1, 128>}, {transform_indices = @transform_8, window_bounds = array<i64: 2000, 128>}]} {
    %get3A = arith.constant 0 : index
    %get3A_0 = arith.constant 0 : index
    %get3A_1 = vector.load %arg5[%get3A, %get3A_0] : memref<2000x1xf32, #tpu.memory_space<vmem>>, vector<2000x1xf32>
    %get3A_2 = arith.constant 0 : index
    %get3A_3 = arith.constant 0 : index
    %get3A_4 = vector.load %arg6[%get3A_2, %get3A_3] : memref<2000x1xf32, #tpu.memory_space<vmem>>, vector<2000x1xf32>
    %add3A = arith.addf %get3A_1, %get3A_4 : vector<2000x1xf32>
    %le3A = arith.constant 0.000000e+00 : f32
    %le3A_5 = vector.broadcast %le3A : f32 to vector<2000x1xf32>
    %le3A_6 = arith.cmpf ole, %add3A, %le3A_5 : vector<2000x1xf32>
    %jit3A = arith.constant 1.000000e+00 : f32
    %broadcast_in_dim3A = vector.broadcast %jit3A : f32 to vector<2000x1xf32>
    %select_n3A = arith.select %le3A_6, %broadcast_in_dim3A, %add3A : vector<2000x1xi1>, vector<2000x1xf32>
    %get3A_7 = arith.constant 0 : index
    %get3A_8 = arith.constant 0 : index
    %get3A_9 = vector.load %arg3[%get3A_7, %get3A_8] : memref<2000x128xf32, #tpu.memory_space<vmem>>, vector<2000x128xf32>
    %get3A_10 = arith.constant 0 : index
    %get3A_11 = arith.constant 0 : index
    %get3A_12 = vector.load %arg4[%get3A_10, %get3A_11] : memref<2000x128xf32, #tpu.memory_space<vmem>>, vector<2000x128xf32>
    %add3A_13 = arith.addf %get3A_9, %get3A_12 : vector<2000x128xf32>
    %get3A_14 = arith.constant 0 : index
    %get3A_15 = arith.constant 0 : index
    %get3A_16 = vector.load %arg1[%get3A_14, %get3A_15] : memref<2000x128xf32, #tpu.memory_space<vmem>>, vector<2000x128xf32>
    %mul3A = arith.mulf %get3A_16, %add3A_13 : vector<2000x128xf32>
    %sqrt3A = math.sqrt %select_n3A : vector<2000x1xf32>
    %div3A = vector.broadcast %sqrt3A : vector<2000x1xf32> to vector<2000x128xf32>
    %div3A_17 = arith.divf %mul3A, %div3A : vector<2000x128xf32>
    %get3A_18 = arith.constant 0 : index
    %get3A_19 = arith.constant 0 : index
    %get3A_20 = vector.load %arg7[%get3A_18, %get3A_19] : memref<128x128xf32, #tpu.memory_space<vmem>>, vector<128x128xf32>
    %dot_general3A = arith.constant dense<0.000000e+00> : vector<2000x128xf32>
    %dot_general3A_21 = tpu.matmul %div3A_17, %get3A_20, %dot_general3A {dimension_numbers = #tpu.dot_dimension_numbers<[1], [0], [0], [1], [0, 0, 1, 1], [], []>, precision = #tpu.contract_precision<fp32>, transpose_lhs_hint = false} : vector<2000x128xf32>, vector<128x128xf32>, vector<2000x128xf32> -> vector<2000x128xf32>
    %get3A_22 = arith.constant 0 : index
    %get3A_23 = arith.constant 0 : index
    %get3A_24 = vector.load %arg8[%get3A_22, %get3A_23] : memref<1x128xf32, #tpu.memory_space<vmem>>, vector<1x128xf32>
    %add3A_25 = vector.broadcast %get3A_24 : vector<1x128xf32> to vector<2000x128xf32>
    %add3A_26 = arith.addf %dot_general3A_21, %add3A_25 : vector<2000x128xf32>
    %get3A_27 = arith.constant 0 : index
    %get3A_28 = arith.constant 0 : index
    %get3A_29 = vector.load %arg2[%get3A_27, %get3A_28] : memref<2000x128xf32, #tpu.memory_space<vmem>>, vector<2000x128xf32>
    %mul3A_30 = arith.mulf %add3A_26, %get3A_29 : vector<2000x128xf32>
    %swap3A = arith.constant 0 : index
    %swap3A_31 = arith.constant 0 : index
    %swap3A_32 = vector.load %arg9[%swap3A, %swap3A_31] : memref<2000x128xf32, #tpu.memory_space<vmem>>, vector<2000x128xf32>
    tpu.vector_store %arg9[%swap3A, %swap3A_31], %mul3A_30 {strides = array<i32>} : memref<2000x128xf32, #tpu.memory_space<vmem>>, vector<2000x128xf32>,
    return
  }
  func.func @transform_0(%arg0: i32) -> (i32, i32) {
    %c0_i32 = arith.constant 0 : i32
    %c0_i32_0 = arith.constant 0 : i32
    return %arg0, %c0_i32 : i32, i32
  }
  func.func @transform_1(%arg0: i32) -> (i32, i32) {
    %c0_i32 = arith.constant 0 : i32
    %c0_i32_0 = arith.constant 0 : i32
    return %arg0, %c0_i32 : i32, i32
  }
  func.func @transform_2(%arg0: i32) -> (i32, i32) {
    %c0_i32 = arith.constant 0 : i32
    %c0_i32_0 = arith.constant 0 : i32
    return %arg0, %c0_i32 : i32, i32
  }
  func.func @transform_3(%arg0: i32) -> (i32, i32) {
    %c0_i32 = arith.constant 0 : i32
    %c0_i32_0 = arith.constant 0 : i32
    return %arg0, %c0_i32 : i32, i32
  }
  func.func @transform_4(%arg0: i32) -> (i32, i32) {
    %c0_i32 = arith.constant 0 : i32
    %c0_i32_0 = arith.constant 0 : i32
    return %arg0, %c0_i32 : i32, i32
  }
  func.func @transform_5(%arg0: i32) -> (i32, i32) {
    %c0_i32 = arith.constant 0 : i32
    %c0_i32_0 = arith.constant 0 : i32
    return %arg0, %c0_i32 : i32, i32
  }
  func.func @transform_6(%arg0: i32) -> (i32, i32) {
    %c0_i32 = arith.constant 0 : i32
    %c0_i32_0 = arith.constant 0 : i32
    %c0_i32_1 = arith.constant 0 : i32
    return %c0_i32, %c0_i32_0 : i32, i32
  }
  func.func @transform_7(%arg0: i32) -> (i32, i32) {
    %c0_i32 = arith.constant 0 : i32
    %c0_i32_0 = arith.constant 0 : i32
    %c0_i32_1 = arith.constant 0 : i32
    return %c0_i32, %c0_i32_0 : i32, i32
  }
  func.func @transform_8(%arg0: i32) -> (i32, i32) {
    %c0_i32 = arith.constant 0 : i32
    %c0_i32_0 = arith.constant 0 : i32
    return %arg0, %c0_i32 : i32, i32
  }
}

</mosaic_0001>

<sc_bundles>
// kernel: kernel.11.cloned.1.call-start
scs
__scs_entry_jumppad:
0x0: {  	(pc) =	sbr.rel $0x88, $3  }
0x1: {  	(tag) =	ssettag $0x0;
	lr =	simm.s32 $0x1  }
0x2: {  	[smem:$0x3F8A] =	sst lr;
	_ =	strace $0xD0000000  }
0x3: {  	_ = 	snop  }
0x4: {  	_ = 	snop  }
0x5: {  	_ = 	snop  }
0x6: {  	_ = 	snop  }
0x7: {  	_ = 	snop  }
__scs_overlays_trampoline_lowered:
0x8: {  	[smem:$0x3F99] =	sst s0  }
0x9: {  	[smem:$0x3F9A] =	sst s1  }
0xa: {  	[smem:$0x3F9B] =	sst s2  }
0xb: {  	[smem:$0x3F9C] =	sst s3  }
0xc: {  	[smem:$0x3F9D] =	sst s4  }
0xd: {  	[smem:$0x3F9E] =	sst s5  }
0xe: {  	[smem:$0x3F9F] =	sst s6  }
0xf: {  	[smem:$0x3FA0] =	sst s7  }
0x10: {  	[smem:$0x3FA1] =	sst s8  }
0x11: {  	[smem:$0x3FA2] =	sst s9;
	s0 =	simm.s32 @!p0 $0x0  }
0x12: {  	s1 =	sld [smem:$0x3F88];
	s0 =	simm.s32 @p0 $0x1  }
0x13: {  	[smem:$0x3FA3] =	sst s0;
	s0 =	simm.s32 @!p1 $0x0  }
0x14: {  	s2 =	sld [smem:$0x3F87];
	s0 =	simm.s32 @p1 $0x1  }
0x15: {  	[smem:$0x3FA4] =	sst s0;
	s0 =	simm.s32 @!p2 $0x0  }
0x16: {  	s3 =	sld [smem:$0x3FDB];
	s0 =	simm.s32 @p2 $0x1  }
0x17: {  	s4 =	simm.s32 $0x1BF5;
	[smem:$0x3FA6] =	sst s0  }
0x18: {  	s0 =	sld [smem:$0x3F89];
	_ =	swait.ge [sflag:s4], $0x0  }
0x19: {  	s7 =	sld [smem:$0x3F8A]  }
0x1a: {  	s8 =	sadd.s32 $0xFFFFE003, lr  }
0x1b: {  	s9 =	sadd.s32 $0xFFFFFEF7, lr;
	s5 =	simm.s32 $0xFFFFFFFF;
	p2 =	slt.u32 s8, $0xFFFFF086  }
0x1c: {  	p1 =	slt.u32 s9, $0xF7A;
	s5 =	simm.s32 @!p2 $0x0  }
0x1d: {  	s5 =	simm.s32 @p1 $0x1;
	p0 =	seq.s32 s7, s2  }
0x1e: {  	s7 =	smul.u32 @!p0 $0xF7A, s2;
	p2 =	seq.s32 @!p0 s5, $0x0  }
0x1f: {  	s9 =	smul.u32 $0xF7A, s1;
	s8 =	simm.s32 @!p0 $0x1BF5;
	p2 =	por !p2, p0  }
0x20: {  	[sflag:s8] =	ssyncset.s32 @!p0 $0xFFFFF086;
	s6 =	sadd.s32 @!p0 s3, s7;
	s7 =	simm.s32 @!p0 $0x108  }
0x21: {  	s3 =	sadd.s32 s3, s9;
	s6 =	sadd.s32 @!p0 $0x88, s6;
	s7 =	simm.s32 @p2 $0x1082  }
0x22: {  	[simem:s7], [sflag:s8] =	dma.local @!p0 [hbm:s6], $0xF7A  }
0x23: {  	s9 =	sor.u32 $0xD0000000, s2;
	s6 =	simm.s32 $0x108;
	_ =	swait.ge @!p0 [sflag:s8], $0x0  }
0x24: {  	s3 =	sadd.s32 $0x88, s3;
	s6 =	simm.s32 @!p1 $0x1082;
	[sflag:s4] =	ssyncset.s32 $0xFFFFF086  }
0x25: {  	[simem:s6], [sflag:s4] =	dma.local [hbm:s3], $0xF7A  }
0x26: {  	[smem:$0x3F8A] =	sst s1;
	(tag) =	ssettag s2;
	_ =	strace s9  }
0x27: {  	s1 =	sld [smem:$0x3F9A]  }
0x28: {  	s2 =	sld [smem:$0x3F9B]  }
0x29: {  	s4 =	sld [smem:$0x3F9D]  }
0x2a: {  	p0 =	seq.s32 s5, $0x0;
	s5 =	sld [smem:$0x3F9E]  }
0x2b: {  	s6 =	sld [smem:$0x3F9F]  }
0x2c: {  	s7 =	sld [smem:$0x3FA0]  }
0x2d: {  	s3 =	simm.s32 $0x108;
	s8 =	sld [smem:$0x3FA1]  }
0x2e: {  	s3 =	simm.s32 @!p0 $0x1082;
	s9 =	sld [smem:$0x3FA2]  }
0x2f: {  	lr =	sadd.s32 s0, s3;
	s0 =	sld [smem:$0x3F99]  }
0x30: {  	s3 =	sld [smem:$0x3F9C]  }
0x31: {  	[smem:$0x3FA5] =	sst s10  }
0x32: {  	s10 =	sld [smem:$0x3FA3];
	_ =	sdelay $0x3  }
0x33: {  	p0 =	seq.s32 s10, $0x1;
	s10 =	sld [smem:$0x3FA5];
	_ =	sdelay $0x3  }
0x34: {  	[smem:$0x3FA5] =	sst s10  }
0x35: {  	s10 =	sld [smem:$0x3FA4];
	_ =	sdelay $0x3  }
0x36: {  	p1 =	seq.s32 s10, $0x1;
	s10 =	sld [smem:$0x3FA5];
	_ =	sdelay $0x3  }
0x37: {  	[smem:$0x3FA5] =	sst s10  }
0x38: {  	s10 =	sld [smem:$0x3FA6]  }
0x39: {  	_ = 	snop;
	(pc) =	sbr.ind lr, $3  }
0x3a: {  	_ = 	snop  }
0x3b: {  	_ = 	snop  }
0x3c: {  	p2 =	seq.s32 s10, $0x1;
	s10 =	sld [smem:$0x3FA5]  }
0x3d: {  	_ =	shalt  }
0x3e: {  	_ =	shalt  }
0x3f: {  	_ =	shalt  }
0x40: {  	_ =	shalt  }
0x41: {  	_ =	shalt  }
0x42: {  	_ =	shalt  }
0x43: {  	_ =	shalt  }
0x44: {  	_ =	shalt  }
0x45: {  	_ =	shalt  }
0x46: {  	_ =	shalt  }
0x47: {  	_ =	shalt  }
0x48: {  	_ =	shalt  }
0x49: {  	_ =	shalt  }
0x4a: {  	_ =	shalt  }
0x4b: {  	_ =	shalt  }
0x4c: {  	_ =	shalt  }
0x4d: {  	_ =	shalt  }
0x4e: {  	_ =	shalt  }
0x4f: {  	_ =	shalt  }
0x50: {  	_ =	shalt  }
0x51: {  	_ =	shalt  }
0x52: {  	_ =	shalt  }
0x53: {  	_ =	shalt  }
0x54: {  	_ =	shalt  }
0x55: {  	_ =	shalt  }
0x56: {  	_ =	shalt  }
0x57: {  	_ =	shalt  }
0x58: {  	_ =	shalt  }
0x59: {  	_ =	shalt  }
0x5a: {  	_ =	shalt  }
0x5b: {  	_ =	shalt  }
0x5c: {  	_ =	shalt  }
0x5d: {  	_ =	shalt  }
0x5e: {  	_ =	shalt  }
0x5f: {  	_ =	shalt  }
0x60: {  	_ =	shalt  }
0x61: {  	_ =	shalt  }
0x62: {  	_ =	shalt  }
0x63: {  	_ =	shalt  }
0x64: {  	_ =	shalt  }
0x65: {  	_ =	shalt  }
0x66: {  	_ =	shalt  }
0x67: {  	_ =	shalt  }
0x68: {  	_ =	shalt  }
0x69: {  	_ =	shalt  }
0x6a: {  	_ =	shalt  }
0x6b: {  	_ =	shalt  }
0x6c: {  	_ =	shalt  }
0x6d: {  	_ =	shalt  }
0x6e: {  	_ =	shalt  }
0x6f: {  	_ =	shalt  }
0x70: {  	_ =	shalt  }
0x71: {  	_ =	shalt  }
0x72: {  	_ =	shalt  }
0x73: {  	_ =	shalt  }
0x74: {  	_ =	shalt  }
0x75: {  	_ =	shalt  }
0x76: {  	_ =	shalt  }
0x77: {  	_ =	shalt  }
0x78: {  	_ =	shalt  }
0x79: {  	_ =	shalt  }
0x7a: {  	_ =	shalt  }
0x7b: {  	_ =	shalt  }
0x7c: {  	_ =	shalt  }
0x7d: {  	_ =	shalt  }
0x7e: {  	_ =	shalt  }
0x7f: {  	_ =	shalt  }
0x80: {  	_ =	shalt  }
0x81: {  	_ =	shalt  }
0x82: {  	_ =	shalt  }
0x83: {  	_ =	shalt  }
0x84: {  	_ =	shalt  }
0x85: {  	_ =	shalt  }
0x86: {  	_ =	shalt  }
0x87: {  	_ =	shalt  }
.Lfunc_end0:
.L_simem_size_0:
called_computation.1_lowered:
.L_overlay_start_0:
0x88: {  	s2 =	sld [smem:$0x3FD9]  }
0x89: {  	s3 =	sld [smem:$0x3FFE];
	_ =	sdelay $0x1  }
0x8a: {  	s1 =	srdreg.scid  }
0x8b: {  	s0 =	sand.u32 $0x1, s1  }
0x8c: {  	s17 =	sshll.u32 s0, $0xA;
	s2 =	sadd.s32 s3, s2  }
0x8d: {  	s2 =	sadd.s32 s2, s17  }
0x8e: {  	[smem:$0x3FB1] =	sst s2  }
0x8f: {  	_ = 	snop  }
0x90: {  	s2 =	sld [smem:$0x3FD0];
	(tm) =	ssettm $0x1  }
0x91: {  	s18 =	sld [smem:$0x3FFB];
	_ =	sdelay $0x3  }
0x92: {  	_ =	strace s18  }
0x93: {  	s3 =	sld [smem:$0x3FFC];
	_ =	sdelay $0x3  }
0x94: {  	_ =	strace s3  }
0x95: {  	s3 =	sld [smem:$0x3FFD];
	_ =	sdelay $0x3  }
0x96: {  	_ =	strace s3  }
0x97: {  	_ =	strace $0x8FFFFFFF  }
0x98: {  	s19 =	sld [smem:$0x3FDB];
	_ =	sdelay $0x1  }
0x99: {  	s4 =	simm.s32 $_scs_section_size  }
0x9a: {  	s5 =	simm.s32 $_size__tile_overlayer_lowered;
	s6 =	simm.s32 $_tile_overlayer_lowered  }
0x9b: {  	s22 =	simm.s32 $0x1BFF;
	s21 =	sshll.u32 s6, $0x1;
	s3 =	sadd.s32 s4, s19  }
0x9c: {  	s7 =	simm.s32 $0x0;
	s20 =	sshll.u32 s5, $0x1;
	s5 =	sadd.s32 s21, s3  }
0x9d: {  	[timem:s7], [sflag:s22] =	dma.local [hbm:s5], s20  }
0x9e: {  	_ =	swait.ge [sflag:s22], s20  }
0x9f: {  	s4 =	ssub.s32 $0x0, s20;
	[sflag:s22] =	ssyncset.done $0x0  }
0xa0: {  	[sflag:s22] =	ssyncadd.s32 s4;
	_ =	sdelay $0x1  }
0xa1: {  	s23 =	simm.s32 $0x1B8B  }
0xa2: {  	_ =	swait.ge [sflag:s23], $0x1  }
0xa3: {  	[sflag:s23] =	ssyncset.done $0x0  }
0xa4: {  	s25 =	simm.s32 $0x1B8E;
	s24 =	sld [smem:$0x3FFE];
	[sflag:s23] =	ssyncadd.s32 $0xFFFFFFFF  }
0xa5: {  	s26 =	simm.s32 $execute0_lowered;
	[smem:$0x3FD2] =	sst s25  }
0xa6: {  	s5 =	sshll.u32 s26, $0x1;
	_ =	strace $0x80000049;
	[dreg:$0x1] =	wrdreg $0xFFFFFFFF  }
0xa7: {  	s28 =	simm.s32 $_size_execute0_lowered;
	s3 =	sadd.s32 s3, s5;
	[dreg:$0x0] =	wrdreg $0x0  }
0xa8: {  	s5 =	sshll.u32 s28, $0x1;
	[dreg:$0x2] =	wrdreg s3  }
0xa9: {  	[dreg:$0x3] =	wrdreg s5  }
0xaa: {  	[dreg:$0x4] =	wrdreg $0xC0  }
0xab: {  	_ =	task [dreg:s7], $0x5FFFF  }
0xac: {  	[dreg:$0x1] =	wrdreg $0xFFFFFFFF  }
0xad: {  	[dreg:$0x0] =	wrdreg $0x60  }
0xae: {  	[dreg:$0x2] =	wrdreg s24  }
0xaf: {  	[dreg:$0x3] =	wrdreg s2  }
0xb0: {  	[dreg:$0x4] =	wrdreg $0xA5800  }
0xb1: {  	[dreg:$0x5] =	wrdreg $0x1F9800  }
0xb2: {  	[dreg:$0x6] =	wrdreg $0x55800  }
0xb3: {  	[dreg:$0x7] =	wrdreg $0x9  }
0xb4: {  	_ =	task.clear_ibuf [dreg:s7], $0x8FFFF;
	_ =	strace $0x90000049  }
0xb5: {  	s29 =	simm.s32 $0x9;
	_ =	strace $0x8000004B  }
0xb6: {  	_ =	swait.ge [sflag:s29], $0x1  }
0xb7: {  	[sflag:s29] =	ssyncadd.s32 $0xFFFFFFFF  }
0xb8: {  	_ =	strace $0x9000004B  }
0xb9: {  	_ =	sfence  }
0xba: {  	s30 =	sld [smem:$0x0];
	_ =	sdelay $0x2  }
0xbb: {  	s31 =	sshll.u32 s1, $0xD;
	s1 =	sshrl.u32 s1, $0x2  }
0xbc: {  	s3 =	sand.u32 $0x4000, s31;
	s1 =	sadd.s32 s1, s30  }
0xbd: {  	s0 =	sor.u32 s3, s0;
	s1 =	sshll.u32 s1, $0x11  }
0xbe: {  	s0 =	sor.u32 s1, s0  }
0xbf: {  	s0 =	sadd.s32 $0x8F2B, s0  }
0xc0: {  	[sflag:s0] =	ssyncadd.remote.s32 $0x1  }
0xc1: {  	_ =	sfence.sel $0xFFFF  }
0xc2: {  	[dreg:$0x0] =	wrdreg $0xFFFFFFFF;
	(pc) =	sbr.abs _section_cstart, $3  }
0xc3: {  	[dreg:$0x1] =	wrdreg $0xFFFFFFFF  }
0xc4: {  	_ =	task.clear_ibuf [dreg:s7], $0x2FFFF;
	_ =	strace $0x9FFFFFFF  }
0xc5: {  	(tm) =	ssettm $0x7FFFFFFF  }
tec
execute0_lowered:
.L_overlay_start_1:
0x0: {  	(tag) =	ssettag $0x1  }
0x1: {  	s0 =	rddreg [dreg:$0x0]  }
0x2: {  	s7 =	rddreg [dreg:$0x2]  }
0x3: {  	s28 =	rddreg [dreg:$0x3]  }
0x4: {  	s4 =	rddreg [dreg:$0x4];
	s1 =	simm.s32 $0x0  }
0x5: {  	s5 =	srdreg.scid;
	[smem:$0x7FF] =	sst s1  }
0x6: {  	s9 =	stileid.u32;
	s29 =	sadd.s32 $0xA08800, s0;
	s8 =	sadd.s32 $0x9F4800, s0  }
0x7: {  	s1 =	sand.u32 $0x1, s5;
	s2 =	sshll.u32 s9, $0x1;
	s3 =	sadd.s32 $0x4400, s0  }
0x8: {  	s6 =	sadd.s32 $0x4600, s0;
	s10 =	sadd.s32 $0xC200, s0;
	s5 =	smul.u32 $0x55000, s9  }
0x9: {  	s13 =	sadd.s32 $0x282200, s0;
	s0 =	sadd.s32 $0x7200, s0;
	s17 =	smul.u32 $0x5000, s9  }
0xa: {  	s21 =	smul.u32 $0x2A0, s9;
	_ =	strace $0x8000004A;
	[dreg:$0x7] =	wrdreg s3  }
0xb: {  	p2 =	seq.s32 s9, $0x1;
	s22 =	smul.u32 $0xA000, s9;
	[dreg:$0x8] =	wrdreg s6  }
0xc: {  	s26 =	sadd.s32 $0x1F80, s28;
	s31 =	sadd.s32 $0x24C0, s28;
	[dreg:$0x9] =	wrdreg s10  }
0xd: {  	s2 =	sor.u32 s1, s2;
	s11 =	ssub.s32 $0x2, s1;
	[dreg:$0xa] =	wrdreg s13  }
0xe: {  	[dreg:$0xb] =	wrdreg s0;
	s6 =	smul.u32 $0x54000, s9;
	p1 =	seq.s32 s1, $0x0  }
0xf: {  	p0 =	seq.s32 s1, $0x1;
	s23 =	smul.u32 $0x5000, s1;
	[dreg:$0x18] =	wrdreg s26  }
0x10: {  	p4 =	sne.s32 s1, $0x0;
	[dreg:$0x19] =	wrdreg s31;
	s1 =	simm.s32 $0x80  }
0x11: {  	s10 =	simm.s32 $0x780;
	s13 =	simm.s32 $0x800;
	s26 =	simm.s32 $0x4980  }
0x12: {  	[dreg:$0x6] =	wrdreg s29;
	s12 =	smul.u32 $0x5000, s2;
	s14 =	sshrl.u32 s11, $0x1  }
0x13: {  	s18 =	sshrl.u32 s5, $0x2;
	s16 =	sadd.s32 $0xFFFFFFFF, s17;
	s30 =	sadd.s32 s17, s4  }
0x14: {  	[dreg:$0xf] =	wrdreg s21;
	p1 =	por !p2, !p1;
	p2 =	por !p2, !p0  }
0x15: {  	s21 =	simm.s32 $0x3;
	s15 =	ssub.s32 s11, s14;
	s3 =	sadd.s32 s18, s7  }
0x16: {  	s20 =	sshrl.u32 s6, $0x2;
	p1 =	por !p1, !p1;
	p3 =	por !p2, !p2  }
0x17: {  	s24 =	sadd.s32 s23, s22;
	s6 =	sadd.s32 $0x540, s28;
	s14 =	sadd.s32 $0xA80, s28  }
0x18: {  	p2 =	sne.s32 s9, $0x0;
	s23 =	sadd.s32 $0x1A40, s28;
	[dreg:$0xd] =	wrdreg s30  }
0x19: {  	s9 =	simm.s32 $0x500;
	s11 =	simm.s32 $0x580;
	[dreg:$0x11] =	wrdreg s24  }
0x1a: {  	s18 =	simm.s32 $0x400;
	s22 =	simm.s32 $0x880;
	[dreg:$0x12] =	wrdreg s6  }
0x1b: {  	s19 =	sshrl.u32 s12, $0x3;
	s2 =	sadd.s32 s20, s7;
	[dreg:$0x13] =	wrdreg s14  }
0x1c: {  	s0 =	smax.u32 s15, $0x1;
	s25 =	sshrl.u32 s3, $0x3;
	[dreg:$0x17] =	wrdreg s23  }
0x1d: {  	s15 =	sadd.s32 $0xFC0, s28;
	s20 =	simm.s32 $0x1;
	[dreg:$0xe] =	wrdreg s2  }
.Ltmp0:
0x1e: {  	s7 =	simm.s32 $0x700;
	[dreg:$0x10] =	wrdreg s0;
	(pc) =	sbr.rel .LBB2_1-.Ltmp0, $4  }
0x1f: {  	s24 =	simm.s32 $0x600;
	s3 =	simm.s32 $0x0;
	[dreg:$0x14] =	wrdreg s25  }
0x20: {  	s5 =	sadd.s32 s8, s19;
	s0 =	simm.s32 $0x4;
	[dreg:$0x15] =	wrdreg s15  }
0x21: {  	v1 =	vimm.s32 $0x0;
	[dreg:$0xc] =	wrdreg s5;
	s5 =	sadd.s32 $0x4F80, s17;
	s17 =	sadd.s32 $0x1500, s28  }
0x22: {  	v2 =	vimm.f32 $1.000000000e+00;
	v3 =	vimm.f32 $0.0e+00;
	s19 =	simm.s32 $0x5;
	s25 =	simm.s32 $0x2;
	v0 =	vmov s5;
	[dreg:$0x16] =	wrdreg s17  }
.LBB2_19:
0x23: {  	s3 =	rddreg [dreg:$0x1a]  }
0x24: {  	s2 =	rddreg [dreg:$0x10];
	s3 =	sadd.s32 $0x1, s3  }
0x25: {  	p5 =	sne.s32 s3, s2  }
.Ltmp1:
0x26: {  	_ = 	snop;
	(pc) =	sbr.rel @!p5 .LBB2_20-.Ltmp1, $1  }
0x27: {  	_ =	sdelay $0x3  }
.LBB2_1:
0x28: {  	[dreg:$0x1a] =	wrdreg s3  }
0x29: {  	s2 =	simm.s32 $0x0;
	s31 =	rddreg [dreg:$0x7];
	s5 =	simm.s32 $0x4880  }
0x2a: {  	[tilespmem:s5], [sflag:$0x4] =	stream.linear.gather [hbm4b:s31+s2], $0x10, $0x38;
	[tilespmem:$0x1FC28] =	vst v63  }
0x2b: {  	_ =	swait.ge [sflag:s0], $0x10  }
0x2c: {  	[sflag:s0] =	ssyncset.done $0x0  }
0x2d: {  	[sflag:s0] =	ssyncadd.s32 $0xFFFFFFF0  }
0x2e: {  	[tilespmem:$0x4890] =	vst v1  }
0x2f: {  	[tilespmem:$0x4A00] =	vst v2  }
0x30: {  	[tilespmem:$0x4A10] =	vst v2  }
0x31: {  	[tilespmem:$0x4A20] =	vst v2  }
0x32: {  	[tilespmem:$0x4A30] =	vst v2  }
0x33: {  	[tilespmem:$0x4A40] =	vst v2  }
0x34: {  	[tilespmem:$0x4A50] =	vst v2  }
0x35: {  	[tilespmem:$0x4A60] =	vst v2  }
0x36: {  	s3 =	simm.s32 $0x0;
	s2 =	simm.s32 $0x40;
	v4 =	vld [tilespmem:$0x4880];
	[tilespmem:$0x4A70] =	vst v2  }
.LBB2_2:
0x37: {  	p5 =	seq.s32 s2, $0x14C0;
	[tilespmem:s3+$0x4A80] =	vst v3;
	s3 =	smov.u32 s2;
	s2 =	sadd.s32 $0x40, s2  }
.Ltmp2:
0x38: {  	(pc) =	sbr.rel @!p5 .LBB2_2-.Ltmp2, $2  }
0x39: {  	_ =	sdelay $0x2  }
0x3a: {  	s3 =	sshra.s32 s3, $0x2  }
.Ltmp3:
0x3b: {  	(pc) =	sbr.rel .LBB2_4-.Ltmp3, $4  }
0x3c: {  	s2 =	stileid.u32  }
0x3d: {  	s2 =	sshll.u32 s2, $0x6  }
0x3e: {  	s2 =	sor.u32 $0x1C04, s2  }
0x3f: {  	[tilespmem:s3+$0x4A80] =	vst v3;
	v5 =	vadd.s32 v0, v4;
	s31 =	simm.s32 $0x0;
	[dreg:$0x1b] =	wrdreg s2  }
.LBB2_18:
0x40: {  	s31 =	rddreg [dreg:$0x1c]  }
0x41: {  	s31 =	sadd.s32 $0x1, s31  }
0x42: {  	p5 =	sne.s32 s31, $0xF  }
.Ltmp4:
0x43: {  	_ = 	snop;
	(pc) =	sbr.rel @!p5 .LBB2_19-.Ltmp4, $2  }
0x44: {  	_ =	sdelay $0x1  }
0x45: {  	[bflag:$0x0] =	sbarrier.arrive $0xFFFF;
	_ =	sdelay $0x1  }
.LBB2_4:
0x46: {  	s2 =	rddreg [dreg:$0x8]  }
0x47: {  	s3 =	rddreg [dreg:$0x14]  }
0x48: {  	s5 =	rddreg [dreg:$0x1b]  }
0x49: {  	[spmem:s3], [sflag:s5] =	dma.local [hbm:s2], $0x2A80  }
0x4a: {  	_ =	swait.ge [sflag:s0], $0x2A80  }
0x4b: {  	[sflag:s0] =	ssyncset.done $0x0  }
0x4c: {  	s2 =	simm.s32 @!p2 $0x4A80;
	s3 =	simm.s32 @!p2 $0x4;
	[sflag:s0] =	ssyncadd.s32 $0xFFFFD580  }
0x4d: {  	[spmem:s28] =	stream.linear.scatter @!p2 [tilespmem:s2], [sflag:$0x4], $0x540, $0x38;
	[tilespmem:$0x1FC28] =	vst v63  }
0x4e: {  	_ =	swait.ge @!p2 [sflag:s3], $0x540  }
0x4f: {  	[sflag:s3] =	ssyncset.done @!p2 $0x0  }
0x50: {  	[sflag:s3] =	ssyncadd.s32 @!p2 $0xFFFFFAC0  }
0x51: {  	[spmem:s6] =	stream.linear.scatter @!p2 [tilespmem:s2], [sflag:$0x4], $0x540, $0x38;
	[tilespmem:$0x1FC28] =	vst v63  }
0x52: {  	_ =	swait.ge @!p2 [sflag:s3], $0x540  }
0x53: {  	[sflag:s3] =	ssyncset.done @!p2 $0x0  }
0x54: {  	[sflag:s3] =	ssyncadd.s32 @!p2 $0xFFFFFAC0  }
0x55: {  	[spmem:s14] =	stream.linear.scatter @!p2 [tilespmem:s2], [sflag:$0x4], $0x540, $0x38;
	[tilespmem:$0x1FC28] =	vst v63  }
0x56: {  	_ =	swait.ge @!p2 [sflag:s3], $0x540  }
0x57: {  	[sflag:s3] =	ssyncset.done @!p2 $0x0  }
0x58: {  	[sflag:s3] =	ssyncadd.s32 @!p2 $0xFFFFFAC0  }
0x59: {  	[spmem:s15] =	stream.linear.scatter @!p2 [tilespmem:s2], [sflag:$0x4], $0x540, $0x38;
	[tilespmem:$0x1FC28] =	vst v63  }
0x5a: {  	_ =	swait.ge @!p2 [sflag:s3], $0x540  }
0x5b: {  	[sflag:s3] =	ssyncset.done @!p2 $0x0  }
0x5c: {  	[sflag:s3] =	ssyncadd.s32 @!p2 $0xFFFFFAC0  }
0x5d: {  	[spmem:s17] =	stream.linear.scatter @!p2 [tilespmem:s2], [sflag:$0x4], $0x540, $0x38;
	[tilespmem:$0x1FC28] =	vst v63  }
0x5e: {  	_ =	swait.ge @!p2 [sflag:s3], $0x540  }
0x5f: {  	[sflag:s3] =	ssyncset.done @!p2 $0x0  }
0x60: {  	[sflag:s3] =	ssyncadd.s32 @!p2 $0xFFFFFAC0  }
0x61: {  	[spmem:s23] =	stream.linear.scatter @!p2 [tilespmem:s2], [sflag:$0x4], $0x540, $0x38;
	[tilespmem:$0x1FC28] =	vst v63  }
0x62: {  	_ =	swait.ge @!p2 [sflag:s3], $0x540  }
0x63: {  	[sflag:s3] =	ssyncset.done @!p2 $0x0  }
0x64: {  	s5 =	rddreg [dreg:$0x18];
	[sflag:s3] =	ssyncadd.s32 @!p2 $0xFFFFFAC0  }
0x65: {  	[spmem:s5] =	stream.linear.scatter @!p2 [tilespmem:s2], [sflag:$0x4], $0x540, $0x38;
	[tilespmem:$0x1FC28] =	vst v63  }
0x66: {  	_ =	swait.ge @!p2 [sflag:s3], $0x540  }
0x67: {  	[sflag:s3] =	ssyncset.done @!p2 $0x0  }
0x68: {  	s5 =	rddreg [dreg:$0x19];
	[sflag:s3] =	ssyncadd.s32 @!p2 $0xFFFFFAC0  }
0x69: {  	[spmem:s5] =	stream.linear.scatter @!p2 [tilespmem:s2], [sflag:$0x4], $0x540, $0x38;
	[tilespmem:$0x1FC28] =	vst v63  }
0x6a: {  	_ =	swait.ge @!p2 [sflag:s3], $0x540  }
0x6b: {  	[sflag:s3] =	ssyncset.done @!p2 $0x0  }
0x6c: {  	s28 =	smul.u32 $0x2A00, s31;
	[sflag:s3] =	ssyncadd.s32 @!p2 $0xFFFFFAC0  }
0x6d: {  	s6 =	simm.s32 $0x0;
	s15 =	simm.s32 $0x100;
	[bflag:$0x0] =	sbarrier.arrive $0xFFFF  }
0x6e: {  	s23 =	simm.s32 $0x200;
	s2 =	simm.s32 $0x0;
	s30 =	rddreg [dreg:$0xc]  }
0x6f: {  	[tilespmem:s6], [sflag:$0x1] =	stream.linear.gather [hbm4b:s30+s6], $0x80, $0x38;
	[tilespmem:$0x1FC28] =	vst v63  }
0x70: {  	[dreg:$0x1c] =	wrdreg s31;
	s31 =	sadd.s32 $0x2A00, s28;
	s14 =	sadd.s32 $0x10, s30  }
0x71: {  	[tilespmem:s15], [sflag:$0x1] =	stream.linear.gather [hbm4b:s14+s6], $0x80, $0x38;
	[tilespmem:$0x1FC28] =	vst v63  }
0x72: {  	[dreg:$0x1d] =	wrdreg s28;
	s17 =	sadd.s32 $0x20, s30;
	s29 =	sadd.s32 $0x30, s30  }
0x73: {  	[tilespmem:s23], [sflag:$0x1] =	stream.linear.gather [hbm4b:s17+s6], $0x80, $0x38;
	[tilespmem:$0x1FC28] =	vst v63  }
0x74: {  	s30 =	simm.s32 $0x300;
	s15 =	rddreg [dreg:$0x11];
	s23 =	simm.s32 $0x0  }
0x75: {  	v6 =	vmov s28;
	v7 =	vmov s31;
	[tilespmem:s30], [sflag:$0x1] =	stream.linear.gather [hbm4b:s29+s6], $0x80, $0x38;
	[tilespmem:$0x1FC28] =	vst v63  }
.LBB2_5:
0x76: {  	s3 =	smov.u32 s2  }
0x77: {  	s2 =	sadd.s32 $0x1, s2;
	p5 =	seq.s32 s3, $0x27  }
0x78: {  	_ =	swait.ge [sflag:s20], $0x200;
	s5 =	sshll.u32 @!p5 s2, $0x9  }
0x79: {  	[sflag:s20] =	ssyncset.done $0x0;
	s5 =	sadd.s32 @!p5 s12, s5  }
0x7a: {  	[sflag:s20] =	ssyncadd.s32 $0xFFFFFE00;
	s6 =	sshll.u32 @!p5 s2, $0x7;
	s5 =	sshrl.u32 @!p5 s5, $0x3  }
0x7b: {  	s17 =	simm.s32 @!p5 $0x0;
	s6 =	sand.u32 @!p5 $0x80, s6;
	s5 =	sadd.s32 @!p5 s8, s5  }
0x7c: {  	[tilespmem:s6], [sflag:$0x1] =	stream.linear.gather @!p5 [hbm4b:s5+s17], $0x80, $0x38;
	[tilespmem:$0x1FC28] =	vst v63  }
0x7d: {  	s29 =	sor.u32 @!p5 $0x100, s6;
	s28 =	sadd.s32 @!p5 $0x10, s5  }
0x7e: {  	[tilespmem:s29], [sflag:$0x1] =	stream.linear.gather @!p5 [hbm4b:s28+s17], $0x80, $0x38;
	[tilespmem:$0x1FC28] =	vst v63  }
0x7f: {  	s28 =	sadd.s32 @!p5 $0x20, s5;
	s29 =	sor.u32 @!p5 $0x200, s6  }
0x80: {  	[tilespmem:s29], [sflag:$0x1] =	stream.linear.gather @!p5 [hbm4b:s28+s17], $0x80, $0x38;
	[tilespmem:$0x1FC28] =	vst v63  }
0x81: {  	s31 =	simm.s32 $0x0;
	s5 =	sadd.s32 @!p5 $0x30, s5;
	s6 =	sor.u32 @!p5 $0x300, s6  }
0x82: {  	[tilespmem:s6], [sflag:$0x1] =	stream.linear.gather @!p5 [hbm4b:s5+s17], $0x80, $0x38;
	[tilespmem:$0x1FC28] =	vst v63  }
0x83: {  	s3 =	sshll.u32 s3, $0x7;
	s17 =	sand.u32 $0xC00, s31  }
0x84: {  	s3 =	sand.u32 $0x80, s3;
	s5 =	sshrl.u32 s17, $0x2  }
0x85: {  	s17 =	sand.u32 $0x70, s31;
	s5 =	sor.u32 s5, s3  }
0x86: {  	s5 =	sadd.s32 s17, s5  }
0x87: {  	v8 =	vld [tilespmem:s5+$0x0];
	_ =	sdelay $0x4  }
0x88: {  	vm0 =	vge.s32 v8, v6;
	vm1 =	vlt.s32 v8, v7  }
0x89: {  	vm0 =	vmand vm0, vm1  }
0x8a: {  	v8 =	vsel vm0, $0x1, v1  }
0x8b: {  	[tilespmem:$0x48A0] =	vst v8  }
0x8c: {  	v9 =	vld [tilespmem:$0x489F];
	_ =	sdelay $0x4  }
0x8d: {  	v8 =	vadd.s32 v8, v9  }
0x8e: {  	[tilespmem:$0x48A0] =	vst v8  }
0x8f: {  	v9 =	vld [tilespmem:$0x489E];
	_ =	sdelay $0x4  }
0x90: {  	v8 =	vadd.s32 v9, v8  }
0x91: {  	[tilespmem:$0x48A0] =	vst v8  }
0x92: {  	v9 =	vld [tilespmem:$0x489C];
	_ =	sdelay $0x4  }
0x93: {  	v8 =	vadd.s32 v8, v9  }
0x94: {  	[tilespmem:$0x48A0] =	vst v8  }
0x95: {  	v9 =	vld [tilespmem:$0x4898];
	_ =	sdelay $0x4  }
0x96: {  	s30 =	simm.s32 $0x0;
	s14 =	sadd.s32 s23, s16;
	s5 =	simm.s32 $0x80;
	v8 =	vadd.s32 v8, v9  }
0x97: {  	s28 =	sadd.s32 $0x0, s15;
	s6 =	sand.u32 $0x600, s31;
	s29 =	sand.u32 $0xC00, s5;
	(v2sf) =	vpush v8, $0xF  }
0x98: {  	s6 =	sshrl.u32 s6, $0x2;
	s31 =	sshrl.u32 s29, $0x2;
	s29 =	simm.s32 $0x10;
	v9 =	vadd.s32 s28, v4;
	v8 =	vadd.s32 s14, v8  }
0x99: {  	s6 =	sor.u32 s17, s6;
	s31 =	sor.u32 s31, s3;
	s28 =	sand.u32 $0x70, s29;
	[tilespmem:s30+$0x480] =	vst v9;
	v8 =	vsel vm0, v8, v5  }
0x9a: {  	s14 =	sadd.s32 s28, s31;
	[tilespmem:s6+$0x680] =	vst v8  }
0x9b: {  	v8 =	vld [tilespmem:s14+$0x0];
	_ =	sdelay $0x4  }
0x9c: {  	vm0 =	vge.s32 v8, v6;
	vm1 =	vlt.s32 v8, v7  }
0x9d: {  	vm0 =	vmand vm0, vm1  }
0x9e: {  	v8 =	vsel vm0, $0x1, v1  }
0x9f: {  	[tilespmem:$0x48A0] =	vst v8  }
0xa0: {  	v9 =	vld [tilespmem:$0x489F];
	_ =	sdelay $0x1  }
0xa1: {  	s30 =	simm.s32 $0x40;
	s6 =	simm.s32 $0x80;
	s17 =	spop (v2sf)  }
.LBB2_6:
0xa2: {  	p5 =	sne.s32 s6, $0x7C0  }
0xa3: {  	s23 =	sadd.s32 s23, s17;
	s14 =	smov.u32 s6;
	s6 =	sadd.s32 $0x40, s6  }
0xa4: {  	v8 =	vadd.s32 v8, v9  }
0xa5: {  	[tilespmem:$0x48A0] =	vst v8  }
0xa6: {  	v9 =	vld [tilespmem:$0x489E];
	_ =	sdelay $0x4  }
0xa7: {  	v8 =	vadd.s32 v9, v8  }
0xa8: {  	[tilespmem:$0x48A0] =	vst v8  }
0xa9: {  	v9 =	vld [tilespmem:$0x489C];
	_ =	sdelay $0x4  }
0xaa: {  	v8 =	vadd.s32 v8, v9  }
0xab: {  	s17 =	sadd.s32 s29, s15;
	[tilespmem:$0x48A0] =	vst v8  }
0xac: {  	v10 =	vadd.s32 s17, v4;
	s17 =	sshra.s32 s30, $0x2;
	v9 =	vld [tilespmem:$0x4898]  }
0xad: {  	[tilespmem:s17+$0x480] =	vst v10;
	_ =	sdelay $0x2  }
0xae: {  	s5 =	sadd.s32 $0x80, s5  }
0xaf: {  	s31 =	sadd.s32 s23, s16;
	s30 =	sand.u32 $0x600, s30;
	s17 =	sand.u32 $0xC00, s5;
	v8 =	vadd.s32 v8, v9  }
0xb0: {  	s29 =	sadd.s32 $0x10, s29;
	s30 =	sshrl.u32 s30, $0x2;
	s17 =	sshrl.u32 s17, $0x2;
	v9 =	vadd.s32 s31, v8;
	(v2sf) =	vpush v8, $0xF  }
0xb1: {  	s30 =	sor.u32 s28, s30;
	s28 =	sand.u32 $0x70, s29;
	s17 =	sor.u32 s17, s3;
	v8 =	vsel vm0, v9, v5  }
0xb2: {  	s17 =	sadd.s32 s28, s17;
	[tilespmem:s30+$0x680] =	vst v8;
	s30 =	smov.u32 s14  }
0xb3: {  	v8 =	vld [tilespmem:s17+$0x0];
	_ =	sdelay $0x4  }
0xb4: {  	vm0 =	vge.s32 v8, v6;
	vm1 =	vlt.s32 v8, v7  }
0xb5: {  	vm0 =	vmand vm0, vm1  }
0xb6: {  	v8 =	vsel vm0, $0x1, v1  }
.Ltmp5:
0xb7: {  	[tilespmem:$0x48A0] =	vst v8;
	(pc) =	sbr.rel @p5 .LBB2_6-.Ltmp5, $2  }
0xb8: {  	v9 =	vld [tilespmem:$0x489F];
	_ =	sdelay $0x2  }
0xb9: {  	s17 =	spop (v2sf)  }
0xba: {  	_ = 	snop  }
0xbb: {  	v8 =	vadd.s32 v8, v9  }
0xbc: {  	[tilespmem:$0x48A0] =	vst v8  }
0xbd: {  	v60 =	vld [tilespmem:$0x489E];
	_ =	sdelay $0x4  }
0xbe: {  	v8 =	vadd.s32 v60, v8  }
0xbf: {  	[tilespmem:$0x48A0] =	vst v8  }
0xc0: {  	v61 =	vld [tilespmem:$0x489C];
	_ =	sdelay $0x4  }
0xc1: {  	v8 =	vadd.s32 v8, v61  }
0xc2: {  	[tilespmem:$0x48A0] =	vst v8  }
0xc3: {  	v62 =	vld [tilespmem:$0x4898];
	_ =	sdelay $0x4  }
0xc4: {  	v8 =	vadd.s32 v8, v62  }
0xc5: {  	(v2sf) =	vpush v8, $0xF;
	_ =	sdelay $0x2  }
0xc6: {  	s3 =	sadd.s32 s23, s17  }
0xc7: {  	s5 =	sadd.s32 s29, s15;
	s14 =	sand.u32 $0x600, s30;
	s6 =	sadd.s32 s3, s16  }
0xc8: {  	s17 =	sshra.s32 s30, $0x2;
	v63 =	vadd.s32 s5, v4;
	s23 =	sshrl.u32 s14, $0x2;
	v8 =	vadd.s32 s6, v8  }
0xc9: {  	s28 =	sor.u32 s28, s23;
	[tilespmem:s17+$0x480] =	vst v63;
	v8 =	vsel vm0, v8, v5  }
0xca: {  	s29 =	simm.s32 $0x680;
	s30 =	simm.s32 $0x480;
	[tilespmem:s28+$0x680] =	vst v8  }
0xcb: {  	[spmem:s4] =	stream.indirect.scatter [tilespmem:s30], [sflag:$0x3], $0x1, s29, s1, $0xb8;
	[tilespmem:$0x1FC28] =	vst v63  }
0xcc: {  	_ = 	snop  }
0xcd: {  	[spmem:s4] =	stream.indirect.scatter [tilespmem:s9], [sflag:$0x3], $0x1, s7, s1, $0xb8;
	[tilespmem:$0x1FC28] =	vst v63  }
0xce: {  	_ = 	snop  }
0xcf: {  	[spmem:s4] =	stream.indirect.scatter [tilespmem:s11], [sflag:$0x3], $0x1, s10, s1, $0xb8;
	[tilespmem:$0x1FC28] =	vst v63  }
0xd0: {  	_ = 	snop  }
0xd1: {  	[spmem:s4] =	stream.indirect.scatter [tilespmem:s24], [sflag:$0x3], $0x1, s13, s1, $0xb8;
	[tilespmem:$0x1FC28] =	vst v63  }
0xd2: {  	s31 =	spop (v2sf)  }
0xd3: {  	_ =	swait.ge [sflag:s21], $0x80  }
0xd4: {  	[sflag:s21] =	ssyncset.done $0x0  }
0xd5: {  	[sflag:s21] =	ssyncadd.s32 $0xFFFFFF80  }
0xd6: {  	_ =	swait.ge [sflag:s21], $0x80  }
0xd7: {  	[sflag:s21] =	ssyncset.done $0x0  }
0xd8: {  	[sflag:s21] =	ssyncadd.s32 $0xFFFFFF80  }
0xd9: {  	p5 =	sne.s32 s2, $0x28;
	_ =	swait.ge [sflag:s21], $0x80  }
.Ltmp6:
0xda: {  	[sflag:s21] =	ssyncset.done $0x0;
	(pc) =	sbr.rel @p5 .LBB2_5-.Ltmp6, $4  }
0xdb: {  	[sflag:s21] =	ssyncadd.s32 $0xFFFFFF80  }
0xdc: {  	_ =	swait.ge [sflag:s21], $0x80  }
0xdd: {  	[sflag:s21] =	ssyncset.done $0x0  }
0xde: {  	s15 =	sadd.s32 $0x200, s15;
	s23 =	sadd.s32 s3, s31;
	[sflag:s21] =	ssyncadd.s32 $0xFFFFFF80  }
.Ltmp7:
0xdf: {  	(pc) =	sbr.rel .LBB2_9-.Ltmp7, $4  }
0xe0: {  	s17 =	rddreg [dreg:$0x2]  }
0xe1: {  	s2 =	sadd.s32 $0x7F, s23;
	s28 =	rddreg [dreg:$0x3]  }
0xe2: {  	s3 =	simm.s32 $0x0;
	s5 =	simm.s32 $0x0;
	s29 =	rddreg [dreg:$0x6]  }
0xe3: {  	v7 =	vmov s23;
	s30 =	rddreg [dreg:$0xd];
	s31 =	simm.s32 $0x48C0;
	s2 =	sshrl.u32 s2, $0x7  }
.LBB2_12:
0xe4: {  	vm0 =	vlt.s32 v9, v7;
	v8 =	vsub.s32 v8, v6  }
0xe5: {  	v8 =	vnsel vm0, $0x2A00, v8  }
0xe6: {  	[tilespmem:s6+$0x4980] =	vst v8  }
0xe7: {  	_ =	swait.ge [sflag:s25], $0x4000  }
0xe8: {  	[sflag:s25] =	ssyncset.done $0x0  }
0xe9: {  	[sflag:s25] =	ssyncadd.s32 $0xFFFFC000  }
0xea: {  	[spmem:s17] =	stream.indirect.scatter.add.f32 [tilespmem:s22], [sflag:$0x5], $0x80, s26, s1, $0xb8;
	[tilespmem:$0x1FC28] =	vst v63  }
0xeb: {  	_ =	swait.ge [sflag:s19], $0x4000  }
0xec: {  	[sflag:s19] =	ssyncset.done $0x0  }
0xed: {  	s23 =	simm.s32 $0x4A00;
	[sflag:s19] =	ssyncadd.s32 $0xFFFFC000  }
0xee: {  	[spmem:s28] =	stream.indirect.scatter.add.f32 [tilespmem:s23], [sflag:$0x4], $0x1, s26, s1, $0xb8;
	[tilespmem:$0x1FC28] =	vst v63  }
0xef: {  	_ =	swait.ge [sflag:s0], $0x80  }
0xf0: {  	[sflag:s0] =	ssyncset.done $0x0  }
0xf1: {  	[sflag:s0] =	ssyncadd.s32 $0xFFFFFF80  }
.LBB2_13:
0xf2: {  	s5 =	sadd.s32 $0x1, s5  }
0xf3: {  	p5 =	sne.s32 s5, $0xA0  }
.Ltmp8:
0xf4: {  	_ = 	snop;
	(pc) =	sbr.rel @!p5 .LBB2_14-.Ltmp8, $2  }
0xf5: {  	_ =	sdelay $0x2  }
0xf6: {  	s3 =	sadd.s32 $0x80, s3  }
.LBB2_9:
0xf7: {  	p5 =	sge.u32 s5, s2  }
.Ltmp9:
0xf8: {  	_ = 	snop;
	(pc) =	sbr.rel @p5 .LBB2_13-.Ltmp9, $1  }
0xf9: {  	_ =	sdelay $0x3  }
0xfa: {  	s6 =	sshll.u32 s5, $0x7  }
0xfb: {  	s6 =	sadd.s32 s6, s30  }
0xfc: {  	[tilespmem:s18], [sflag:$0x5] =	stream.linear.gather [spmem:s6], $0x80, $0x38;
	[tilespmem:$0x1FC28] =	vst v63  }
0xfd: {  	_ =	swait.ge [sflag:s19], $0x80  }
0xfe: {  	[sflag:s19] =	ssyncset.done $0x0  }
0xff: {  	[sflag:s19] =	ssyncadd.s32 $0xFFFFFF80  }
0x100: {  	v8 =	vld [tilespmem:$0x400]  }
0x101: {  	v9 =	vld [tilespmem:$0x410]  }
0x102: {  	v10 =	vld [tilespmem:$0x420]  }
0x103: {  	v11 =	vld [tilespmem:$0x430]  }
0x104: {  	v12 =	vld [tilespmem:$0x440]  }
0x105: {  	v13 =	vld [tilespmem:$0x450];
	vm0 =	vgt.s32 v8, $0x0  }
0x106: {  	v14 =	vld [tilespmem:$0x460];
	vm9 =	vgt.s32 v9, $0x0;
	v8 =	vnsel vm0, $0x0, v8  }
0x107: {  	v15 =	vld [tilespmem:$0x470];
	vm10 =	vgt.s32 v10, $0x0;
	v9 =	vnsel vm9, $0x0, v9;
	v8 =	vmin.u32 v8, $0x9C3FF  }
0x108: {  	vm11 =	vgt.s32 v11, $0x0;
	[tilespmem:$0x400] =	vst v8;
	v8 =	vmin.u32 v9, $0x9C3FF;
	v9 =	vnsel vm10, $0x0, v10  }
0x109: {  	vm12 =	vgt.s32 v12, $0x0;
	[tilespmem:$0x410] =	vst v8;
	v8 =	vmin.u32 v9, $0x9C3FF;
	v9 =	vnsel vm11, $0x0, v11  }
0x10a: {  	vm13 =	vgt.s32 v13, $0x0;
	[tilespmem:$0x420] =	vst v8;
	v8 =	vmin.u32 v9, $0x9C3FF;
	v9 =	vnsel vm12, $0x0, v12  }
0x10b: {  	vm14 =	vgt.s32 v14, $0x0;
	[tilespmem:$0x430] =	vst v8;
	v8 =	vmin.u32 v9, $0x9C3FF;
	v9 =	vnsel vm13, $0x0, v13  }
0x10c: {  	vm15 =	vgt.s32 v15, $0x0;
	[tilespmem:$0x440] =	vst v8;
	v8 =	vmin.u32 v9, $0x9C3FF;
	v9 =	vnsel vm14, $0x0, v14  }
0x10d: {  	[tilespmem:$0x450] =	vst v8;
	v8 =	vnsel vm15, $0x0, v15;
	v9 =	vmin.u32 v9, $0x9C3FF  }
0x10e: {  	[tilespmem:$0x460] =	vst v9;
	v8 =	vmin.u32 v8, $0x9C3FF  }
0x10f: {  	[tilespmem:$0x470] =	vst v8  }
0x110: {  	[tilespmem:s22], [sflag:$0x2] =	stream.indirect.gather [hbm4b:s29+s1], $0x80, s18, s1, $0xb8;
	[tilespmem:$0x1FC28] =	vst v63  }
0x111: {  	_ = 	snop  }
0x112: {  	[tilespmem:s31], [sflag:$0x1] =	stream.indirect.gather [hbm4b:s8+s1], $0x1, s18, s1, $0xb8;
	[tilespmem:$0x1FC28] =	vst v63  }
0x113: {  	_ =	swait.ge [sflag:s20], $0x80  }
0x114: {  	[sflag:s20] =	ssyncset.done $0x0  }
0x115: {  	s6 =	simm.s32 $0x0;
	[sflag:s20] =	ssyncadd.s32 $0xFFFFFF80  }
0x116: {  	v8 =	vld [tilespmem:s6+$0x48C0];
	_ =	sdelay $0x3  }
0x117: {  	s15 =	simm.s32 $0x40;
	s23 =	smov.u32 s3;
	v9 =	vadd.s32 s3, v4  }
.LBB2_11:
0x118: {  	s14 =	sshra.s32 s15, $0x2;
	p5 =	sne.s32 s15, $0x1C0;
	s15 =	sadd.s32 $0x40, s15;
	vm0 =	vlt.s32 v9, v7;
	v9 =	vsub.s32 v8, v6  }
.Ltmp10:
0x119: {  	v8 =	vld [tilespmem:s14+$0x48C0];
	v9 =	vnsel vm0, $0x2A00, v9;
	(pc) =	sbr.rel @p5 .LBB2_11-.Ltmp10, $3  }
0x11a: {  	[tilespmem:s6+$0x4980] =	vst v9;
	s6 =	smov.u32 s14;
	_ =	sdelay $0x1  }
0x11b: {  	s23 =	sadd.s32 $0x10, s23  }
0x11c: {  	v9 =	vadd.s32 s23, v4  }
.Ltmp11:
0x11d: {  	_ = 	snop;
	(pc) =	sbr.rel .LBB2_12-.Ltmp11, $1  }
0x11e: {  	_ =	sdelay $0x3  }
.LBB2_14:
0x11f: {  	s6 =	rddreg [dreg:$0xf]  }
0x120: {  	s15 =	rddreg [dreg:$0x1d];
	[bflag:$0x0] =	sbarrier.arrive $0xFFFF  }
0x121: {  	s2 =	sadd.s32 @!p4 s6, s15;
	s3 =	rddreg [dreg:$0x9]  }
0x122: {  	s5 =	rddreg [dreg:$0xe];
	s2 =	sshll.u32 @!p4 s2, $0x4  }
0x123: {  	s14 =	rddreg [dreg:$0x1b];
	s2 =	sadd.s32 @!p4 s3, s2;
	s3 =	sshrl.u32 @!p4 s5, $0x3  }
0x124: {  	[hbm:s2], [sflag:s14] =	dma.local @!p4 [spmem:s3], $0x2A00  }
0x125: {  	s2 =	simm.s32 @!p4 $0x4  }
0x126: {  	_ =	swait.ge @!p4 [sflag:s2], $0x2A00  }
0x127: {  	s3 =	sadd.s32 @p0 s6, s15;
	[sflag:s2] =	ssyncset.done @!p4 $0x0  }
0x128: {  	s3 =	sshll.u32 @p0 s3, $0x4;
	[sflag:s2] =	ssyncadd.s32 @!p4 $0xFFFFD600;
	s2 =	rddreg [dreg:$0xa]  }
0x129: {  	s2 =	sadd.s32 @p0 s2, s3;
	s3 =	sshrl.u32 @p0 s5, $0x3  }
0x12a: {  	[hbm:s2], [sflag:s14] =	dma.local @p0 [spmem:s3], $0x2A00  }
0x12b: {  	s2 =	simm.s32 @p0 $0x4  }
0x12c: {  	_ =	swait.ge @p0 [sflag:s2], $0x2A00  }
.Ltmp12:
0x12d: {  	s6 =	rddreg [dreg:$0x12];
	(pc) =	sbr.rel @!p1 .LBB2_16-.Ltmp12, $4  }
0x12e: {  	s14 =	rddreg [dreg:$0x13]  }
0x12f: {  	s15 =	rddreg [dreg:$0x15]  }
0x130: {  	[sflag:s2] =	ssyncset.done @p0 $0x0;
	s17 =	rddreg [dreg:$0x16]  }
0x131: {  	s23 =	rddreg [dreg:$0x17];
	[sflag:s2] =	ssyncadd.s32 @p0 $0xFFFFD600  }
0x132: {  	s31 =	simm.s32 $0x5000  }
0x133: {  	[tilespmem:s31], [sflag:$0x4] =	stream.linear.gather [spmem:s28], $0x540, $0x38;
	[tilespmem:$0x1FC28] =	vst v63  }
0x134: {  	_ =	swait.ge [sflag:s0], $0x540  }
0x135: {  	[sflag:s0] =	ssyncset.done $0x0  }
0x136: {  	s2 =	rddreg [dreg:$0x1d];
	[sflag:s0] =	ssyncadd.s32 $0xFFFFFAC0  }
0x137: {  	s2 =	sshrl.u32 s2, $0x3;
	s3 =	rddreg [dreg:$0x1]  }
0x138: {  	s5 =	simm.s32 $0x0;
	s2 =	sadd.s32 s3, s2  }
0x139: {  	[hbm4b:s2+s5] =	stream.linear.scatter [tilespmem:s31], [sflag:$0x4], $0x540, $0x38;
	[tilespmem:$0x1FC28] =	vst v63  }
0x13a: {  	_ =	swait.ge [sflag:s0], $0x540  }
0x13b: {  	[sflag:s0] =	ssyncset.done $0x0  }
0x13c: {  	[sflag:s0] =	ssyncadd.s32 $0xFFFFFAC0  }
0x13d: {  	[tilespmem:s31], [sflag:$0x4] =	stream.linear.gather [spmem:s6], $0x540, $0x38;
	[tilespmem:$0x1FC28] =	vst v63  }
0x13e: {  	_ =	swait.ge [sflag:s0], $0x540  }
0x13f: {  	[sflag:s0] =	ssyncset.done $0x0  }
0x140: {  	s3 =	sadd.s32 $0xA8, s2;
	[sflag:s0] =	ssyncadd.s32 $0xFFFFFAC0  }
0x141: {  	[hbm4b:s3+s5] =	stream.linear.scatter [tilespmem:s31], [sflag:$0x4], $0x540, $0x38;
	[tilespmem:$0x1FC28] =	vst v63  }
0x142: {  	_ =	swait.ge [sflag:s0], $0x540  }
0x143: {  	[sflag:s0] =	ssyncset.done $0x0  }
0x144: {  	[sflag:s0] =	ssyncadd.s32 $0xFFFFFAC0  }
0x145: {  	[tilespmem:s31], [sflag:$0x4] =	stream.linear.gather [spmem:s14], $0x540, $0x38;
	[tilespmem:$0x1FC28] =	vst v63  }
0x146: {  	_ =	swait.ge [sflag:s0], $0x540  }
0x147: {  	[sflag:s0] =	ssyncset.done $0x0  }
0x148: {  	s30 =	sadd.s32 $0x150, s2;
	[sflag:s0] =	ssyncadd.s32 $0xFFFFFAC0  }
0x149: {  	[hbm4b:s30+s5] =	stream.linear.scatter [tilespmem:s31], [sflag:$0x4], $0x540, $0x38;
	[tilespmem:$0x1FC28] =	vst v63  }
0x14a: {  	_ =	swait.ge [sflag:s0], $0x540  }
0x14b: {  	[sflag:s0] =	ssyncset.done $0x0  }
0x14c: {  	[sflag:s0] =	ssyncadd.s32 $0xFFFFFAC0  }
0x14d: {  	[tilespmem:s31], [sflag:$0x4] =	stream.linear.gather [spmem:s15], $0x540, $0x38;
	[tilespmem:$0x1FC28] =	vst v63  }
0x14e: {  	_ =	swait.ge [sflag:s0], $0x540  }
0x14f: {  	[sflag:s0] =	ssyncset.done $0x0  }
0x150: {  	s29 =	sadd.s32 $0x1F8, s2;
	[sflag:s0] =	ssyncadd.s32 $0xFFFFFAC0  }
0x151: {  	[hbm4b:s29+s5] =	stream.linear.scatter [tilespmem:s31], [sflag:$0x4], $0x540, $0x38;
	[tilespmem:$0x1FC28] =	vst v63  }
0x152: {  	_ =	swait.ge [sflag:s0], $0x540  }
0x153: {  	[sflag:s0] =	ssyncset.done $0x0  }
0x154: {  	[sflag:s0] =	ssyncadd.s32 $0xFFFFFAC0  }
0x155: {  	[tilespmem:s31], [sflag:$0x4] =	stream.linear.gather [spmem:s17], $0x540, $0x38;
	[tilespmem:$0x1FC28] =	vst v63  }
0x156: {  	_ =	swait.ge [sflag:s0], $0x540  }
0x157: {  	[sflag:s0] =	ssyncset.done $0x0  }
0x158: {  	s30 =	sadd.s32 $0x2A0, s2;
	[sflag:s0] =	ssyncadd.s32 $0xFFFFFAC0  }
0x159: {  	[hbm4b:s30+s5] =	stream.linear.scatter [tilespmem:s31], [sflag:$0x4], $0x540, $0x38;
	[tilespmem:$0x1FC28] =	vst v63  }
0x15a: {  	_ =	swait.ge [sflag:s0], $0x540  }
0x15b: {  	[sflag:s0] =	ssyncset.done $0x0  }
0x15c: {  	[sflag:s0] =	ssyncadd.s32 $0xFFFFFAC0  }
0x15d: {  	[tilespmem:s31], [sflag:$0x4] =	stream.linear.gather [spmem:s23], $0x540, $0x38;
	[tilespmem:$0x1FC28] =	vst v63  }
0x15e: {  	_ =	swait.ge [sflag:s0], $0x540  }
0x15f: {  	[sflag:s0] =	ssyncset.done $0x0  }
0x160: {  	s29 =	sadd.s32 $0x348, s2;
	[sflag:s0] =	ssyncadd.s32 $0xFFFFFAC0  }
0x161: {  	[hbm4b:s29+s5] =	stream.linear.scatter [tilespmem:s31], [sflag:$0x4], $0x540, $0x38;
	[tilespmem:$0x1FC28] =	vst v63  }
0x162: {  	_ =	swait.ge [sflag:s0], $0x540  }
0x163: {  	[sflag:s0] =	ssyncset.done $0x0  }
0x164: {  	s30 =	rddreg [dreg:$0x18];
	[sflag:s0] =	ssyncadd.s32 $0xFFFFFAC0  }
0x165: {  	[tilespmem:s31], [sflag:$0x4] =	stream.linear.gather [spmem:s30], $0x540, $0x38;
	[tilespmem:$0x1FC28] =	vst v63  }
0x166: {  	_ =	swait.ge [sflag:s0], $0x540  }
0x167: {  	[sflag:s0] =	ssyncset.done $0x0  }
0x168: {  	s29 =	sadd.s32 $0x3F0, s2;
	[sflag:s0] =	ssyncadd.s32 $0xFFFFFAC0  }
0x169: {  	[hbm4b:s29+s5] =	stream.linear.scatter [tilespmem:s31], [sflag:$0x4], $0x540, $0x38;
	[tilespmem:$0x1FC28] =	vst v63  }
0x16a: {  	_ =	swait.ge [sflag:s0], $0x540  }
0x16b: {  	[sflag:s0] =	ssyncset.done $0x0  }
0x16c: {  	s30 =	rddreg [dreg:$0x19];
	[sflag:s0] =	ssyncadd.s32 $0xFFFFFAC0  }
0x16d: {  	[tilespmem:s31], [sflag:$0x4] =	stream.linear.gather [spmem:s30], $0x540, $0x38;
	[tilespmem:$0x1FC28] =	vst v63  }
0x16e: {  	_ =	swait.ge [sflag:s0], $0x540  }
0x16f: {  	[sflag:s0] =	ssyncset.done $0x0  }
0x170: {  	s2 =	sadd.s32 $0x498, s2;
	[sflag:s0] =	ssyncadd.s32 $0xFFFFFAC0  }
0x171: {  	[hbm4b:s2+s5] =	stream.linear.scatter [tilespmem:s31], [sflag:$0x4], $0x540, $0x38;
	[tilespmem:$0x1FC28] =	vst v63  }
0x172: {  	_ =	swait.ge [sflag:s0], $0x540  }
0x173: {  	[sflag:s0] =	ssyncset.done $0x0  }
0x174: {  	[sflag:s0] =	ssyncadd.s32 $0xFFFFFAC0  }
.LBB2_16:
.Ltmp13:
0x175: {  	(pc) =	sbr.rel @!p3 .LBB2_18-.Ltmp13, $1  }
0x176: {  	_ =	sdelay $0x3  }
0x177: {  	s31 =	simm.s32 $0x5000  }
0x178: {  	[tilespmem:s31], [sflag:$0x4] =	stream.linear.gather [spmem:s28], $0x540, $0x38;
	[tilespmem:$0x1FC28] =	vst v63  }
0x179: {  	_ =	swait.ge [sflag:s0], $0x540  }
0x17a: {  	s2 =	rddreg [dreg:$0x1d]  }
0x17b: {  	[sflag:s0] =	ssyncset.done $0x0;
	s3 =	rddreg [dreg:$0xb];
	s2 =	sshrl.u32 s2, $0x3  }
0x17c: {  	s5 =	simm.s32 $0x0;
	[sflag:s0] =	ssyncadd.s32 $0xFFFFFAC0;
	s2 =	sadd.s32 s3, s2  }
0x17d: {  	[hbm4b:s2+s5] =	stream.linear.scatter [tilespmem:s31], [sflag:$0x4], $0x540, $0x38;
	[tilespmem:$0x1FC28] =	vst v63  }
0x17e: {  	_ =	swait.ge [sflag:s0], $0x540  }
0x17f: {  	[sflag:s0] =	ssyncset.done $0x0  }
0x180: {  	[sflag:s0] =	ssyncadd.s32 $0xFFFFFAC0  }
0x181: {  	[tilespmem:s31], [sflag:$0x4] =	stream.linear.gather [spmem:s6], $0x540, $0x38;
	[tilespmem:$0x1FC28] =	vst v63  }
0x182: {  	_ =	swait.ge [sflag:s0], $0x540  }
0x183: {  	[sflag:s0] =	ssyncset.done $0x0  }
0x184: {  	s3 =	sadd.s32 $0xA8, s2;
	[sflag:s0] =	ssyncadd.s32 $0xFFFFFAC0  }
0x185: {  	[hbm4b:s3+s5] =	stream.linear.scatter [tilespmem:s31], [sflag:$0x4], $0x540, $0x38;
	[tilespmem:$0x1FC28] =	vst v63  }
0x186: {  	_ =	swait.ge [sflag:s0], $0x540  }
0x187: {  	[sflag:s0] =	ssyncset.done $0x0  }
0x188: {  	[sflag:s0] =	ssyncadd.s32 $0xFFFFFAC0  }
0x189: {  	[tilespmem:s31], [sflag:$0x4] =	stream.linear.gather [spmem:s14], $0x540, $0x38;
	[tilespmem:$0x1FC28] =	vst v63  }
0x18a: {  	_ =	swait.ge [sflag:s0], $0x540  }
0x18b: {  	[sflag:s0] =	ssyncset.done $0x0  }
0x18c: {  	s30 =	sadd.s32 $0x150, s2;
	[sflag:s0] =	ssyncadd.s32 $0xFFFFFAC0  }
0x18d: {  	[hbm4b:s30+s5] =	stream.linear.scatter [tilespmem:s31], [sflag:$0x4], $0x540, $0x38;
	[tilespmem:$0x1FC28] =	vst v63  }
0x18e: {  	_ =	swait.ge [sflag:s0], $0x540  }
0x18f: {  	[sflag:s0] =	ssyncset.done $0x0  }
0x190: {  	[sflag:s0] =	ssyncadd.s32 $0xFFFFFAC0  }
0x191: {  	[tilespmem:s31], [sflag:$0x4] =	stream.linear.gather [spmem:s15], $0x540, $0x38;
	[tilespmem:$0x1FC28] =	vst v63  }
0x192: {  	_ =	swait.ge [sflag:s0], $0x540  }
0x193: {  	[sflag:s0] =	ssyncset.done $0x0  }
0x194: {  	s29 =	sadd.s32 $0x1F8, s2;
	[sflag:s0] =	ssyncadd.s32 $0xFFFFFAC0  }
0x195: {  	[hbm4b:s29+s5] =	stream.linear.scatter [tilespmem:s31], [sflag:$0x4], $0x540, $0x38;
	[tilespmem:$0x1FC28] =	vst v63  }
0x196: {  	_ =	swait.ge [sflag:s0], $0x540  }
0x197: {  	[sflag:s0] =	ssyncset.done $0x0  }
0x198: {  	[sflag:s0] =	ssyncadd.s32 $0xFFFFFAC0  }
0x199: {  	[tilespmem:s31], [sflag:$0x4] =	stream.linear.gather [spmem:s17], $0x540, $0x38;
	[tilespmem:$0x1FC28] =	vst v63  }
0x19a: {  	_ =	swait.ge [sflag:s0], $0x540  }
0x19b: {  	[sflag:s0] =	ssyncset.done $0x0  }
0x19c: {  	s30 =	sadd.s32 $0x2A0, s2;
	[sflag:s0] =	ssyncadd.s32 $0xFFFFFAC0  }
0x19d: {  	[hbm4b:s30+s5] =	stream.linear.scatter [tilespmem:s31], [sflag:$0x4], $0x540, $0x38;
	[tilespmem:$0x1FC28] =	vst v63  }
0x19e: {  	_ =	swait.ge [sflag:s0], $0x540  }
0x19f: {  	[sflag:s0] =	ssyncset.done $0x0  }
0x1a0: {  	[sflag:s0] =	ssyncadd.s32 $0xFFFFFAC0  }
0x1a1: {  	[tilespmem:s31], [sflag:$0x4] =	stream.linear.gather [spmem:s23], $0x540, $0x38;
	[tilespmem:$0x1FC28] =	vst v63  }
0x1a2: {  	_ =	swait.ge [sflag:s0], $0x540  }
0x1a3: {  	[sflag:s0] =	ssyncset.done $0x0  }
0x1a4: {  	s29 =	sadd.s32 $0x348, s2;
	[sflag:s0] =	ssyncadd.s32 $0xFFFFFAC0  }
0x1a5: {  	[hbm4b:s29+s5] =	stream.linear.scatter [tilespmem:s31], [sflag:$0x4], $0x540, $0x38;
	[tilespmem:$0x1FC28] =	vst v63  }
0x1a6: {  	_ =	swait.ge [sflag:s0], $0x540  }
0x1a7: {  	[sflag:s0] =	ssyncset.done $0x0  }
0x1a8: {  	s30 =	rddreg [dreg:$0x18];
	[sflag:s0] =	ssyncadd.s32 $0xFFFFFAC0  }
0x1a9: {  	[tilespmem:s31], [sflag:$0x4] =	stream.linear.gather [spmem:s30], $0x540, $0x38;
	[tilespmem:$0x1FC28] =	vst v63  }
0x1aa: {  	_ =	swait.ge [sflag:s0], $0x540  }
0x1ab: {  	[sflag:s0] =	ssyncset.done $0x0  }
0x1ac: {  	s29 =	sadd.s32 $0x3F0, s2;
	[sflag:s0] =	ssyncadd.s32 $0xFFFFFAC0  }
0x1ad: {  	[hbm4b:s29+s5] =	stream.linear.scatter [tilespmem:s31], [sflag:$0x4], $0x540, $0x38;
	[tilespmem:$0x1FC28] =	vst v63  }
0x1ae: {  	_ =	swait.ge [sflag:s0], $0x540  }
0x1af: {  	[sflag:s0] =	ssyncset.done $0x0  }
0x1b0: {  	s30 =	rddreg [dreg:$0x19];
	[sflag:s0] =	ssyncadd.s32 $0xFFFFFAC0  }
0x1b1: {  	[tilespmem:s31], [sflag:$0x4] =	stream.linear.gather [spmem:s30], $0x540, $0x38;
	[tilespmem:$0x1FC28] =	vst v63  }
0x1b2: {  	_ =	swait.ge [sflag:s0], $0x540  }
0x1b3: {  	[sflag:s0] =	ssyncset.done $0x0  }
.Ltmp14:
0x1b4: {  	s2 =	sadd.s32 $0x498, s2;
	[sflag:s0] =	ssyncadd.s32 $0xFFFFFAC0;
	(pc) =	sbr.rel .LBB2_18-.Ltmp14, $4  }
0x1b5: {  	[hbm4b:s2+s5] =	stream.linear.scatter [tilespmem:s31], [sflag:$0x4], $0x540, $0x38;
	[tilespmem:$0x1FC28] =	vst v63  }
0x1b6: {  	_ =	swait.ge [sflag:s0], $0x540  }
0x1b7: {  	[sflag:s0] =	ssyncset.done $0x0  }
0x1b8: {  	[sflag:s0] =	ssyncadd.s32 $0xFFFFFAC0  }
.LBB2_20:
0x1b9: {  	_ =	sfence.sel $0x180000  }
0x1ba: {  	[bflag:$0x0] =	sbarrier.arrive $0xFFFF  }
0x1bb: {  	_ =	strace $0x9000004A  }
0x1bc: {  	[bflag:$0x2] =	sbarrier.arrive $0xFFFF  }
0x1bd: {  	s0 =	rddreg [dreg:$0x5]  }
0x1be: {  	s0 =	sadd.s32 @!p2 $0x100000, s0  }
0x1bf: {  	[sflag:s0] =	ssyncadd.tile.s32 @!p2 $0x1;
	_ =	shalt  }
.Lfunc_end2:
_tile_overlayer_lowered:
.L_overlay_start_2:
0x1c0: {  	(tag) =	ssettag $0x2  }
0x1c1: {  	s0 =	rddreg [dreg:$0x0];
	s2 =	stileid.u32  }
0x1c2: {  	s1 =	rddreg [dreg:$0x1];
	p0 =	sne.s32 s2, $0x0  }
0x1c3: {  	s3 =	rddreg [dreg:$0x2];
	[bflag:$0x3] =	sbarrier.arrive $0xFFFF;
	s2 =	simm.s32 @!p0 $0x1C04  }
0x1c4: {  	[timem:s3], [sflag:s2] =	dma.local @!p0 [hbm:s0], s1  }
0x1c5: {  	s0 =	simm.s32 @!p0 $0x4  }
0x1c6: {  	_ =	swait.ge @!p0 [sflag:s0], s1  }
0x1c7: {  	s1 =	ssub.s32 @!p0 $0x0, s1;
	[sflag:s0] =	ssyncset.done @!p0 $0x0  }
0x1c8: {  	[sflag:s0] =	ssyncadd.s32 @!p0 s1  }
0x1c9: {  	[bflag:$0x3] =	sbarrier.arrive $0xFFFF  }
0x1ca: {  	_ =	shalt  }

// kernel: kernel.8.cloned.1.call-start
scs
__scs_entry_jumppad:
0x0: {  	(pc) =	sbr.rel $0x88, $3  }
0x1: {  	(tag) =	ssettag $0x0;
	lr =	simm.s32 $0x1  }
0x2: {  	[smem:$0x3F8A] =	sst lr;
	_ =	strace $0xD0000000  }
0x3: {  	_ = 	snop  }
0x4: {  	_ = 	snop  }
0x5: {  	_ = 	snop  }
0x6: {  	_ = 	snop  }
0x7: {  	_ = 	snop  }
__scs_overlays_trampoline_lowered:
0x8: {  	[smem:$0x3F99] =	sst s0  }
0x9: {  	[smem:$0x3F9A] =	sst s1  }
0xa: {  	[smem:$0x3F9B] =	sst s2  }
0xb: {  	[smem:$0x3F9C] =	sst s3  }
0xc: {  	[smem:$0x3F9D] =	sst s4  }
0xd: {  	[smem:$0x3F9E] =	sst s5  }
0xe: {  	[smem:$0x3F9F] =	sst s6  }
0xf: {  	[smem:$0x3FA0] =	sst s7  }
0x10: {  	[smem:$0x3FA1] =	sst s8  }
0x11: {  	[smem:$0x3FA2] =	sst s9;
	s0 =	simm.s32 @!p0 $0x0  }
0x12: {  	s1 =	sld [smem:$0x3F88];
	s0 =	simm.s32 @p0 $0x1  }
0x13: {  	[smem:$0x3FA3] =	sst s0;
	s0 =	simm.s32 @!p1 $0x0  }
0x14: {  	s2 =	sld [smem:$0x3F87];
	s0 =	simm.s32 @p1 $0x1  }
0x15: {  	[smem:$0x3FA4] =	sst s0;
	s0 =	simm.s32 @!p2 $0x0  }
0x16: {  	s3 =	sld [smem:$0x3FDB];
	s0 =	simm.s32 @p2 $0x1  }
0x17: {  	s4 =	simm.s32 $0x1BF5;
	[smem:$0x3FA6] =	sst s0  }
0x18: {  	s0 =	sld [smem:$0x3F89];
	_ =	swait.ge [sflag:s4], $0x0  }
0x19: {  	s7 =	sld [smem:$0x3F8A]  }
0x1a: {  	s8 =	sadd.s32 $0xFFFFE003, lr  }
0x1b: {  	s9 =	sadd.s32 $0xFFFFFEF7, lr;
	s5 =	simm.s32 $0xFFFFFFFF;
	p2 =	slt.u32 s8, $0xFFFFF086  }
0x1c: {  	p1 =	slt.u32 s9, $0xF7A;
	s5 =	simm.s32 @!p2 $0x0  }
0x1d: {  	s5 =	simm.s32 @p1 $0x1;
	p0 =	seq.s32 s7, s2  }
0x1e: {  	s7 =	smul.u32 @!p0 $0xF7A, s2;
	p2 =	seq.s32 @!p0 s5, $0x0  }
0x1f: {  	s9 =	smul.u32 $0xF7A, s1;
	s8 =	simm.s32 @!p0 $0x1BF5;
	p2 =	por !p2, p0  }
0x20: {  	[sflag:s8] =	ssyncset.s32 @!p0 $0xFFFFF086;
	s6 =	sadd.s32 @!p0 s3, s7;
	s7 =	simm.s32 @!p0 $0x108  }
0x21: {  	s3 =	sadd.s32 s3, s9;
	s6 =	sadd.s32 @!p0 $0x88, s6;
	s7 =	simm.s32 @p2 $0x1082  }
0x22: {  	[simem:s7], [sflag:s8] =	dma.local @!p0 [hbm:s6], $0xF7A  }
0x23: {  	s9 =	sor.u32 $0xD0000000, s2;
	s6 =	simm.s32 $0x108;
	_ =	swait.ge @!p0 [sflag:s8], $0x0  }
0x24: {  	s3 =	sadd.s32 $0x88, s3;
	s6 =	simm.s32 @!p1 $0x1082;
	[sflag:s4] =	ssyncset.s32 $0xFFFFF086  }
0x25: {  	[simem:s6], [sflag:s4] =	dma.local [hbm:s3], $0xF7A  }
0x26: {  	[smem:$0x3F8A] =	sst s1;
	(tag) =	ssettag s2;
	_ =	strace s9  }
0x27: {  	s1 =	sld [smem:$0x3F9A]  }
0x28: {  	s2 =	sld [smem:$0x3F9B]  }
0x29: {  	s4 =	sld [smem:$0x3F9D]  }
0x2a: {  	p0 =	seq.s32 s5, $0x0;
	s5 =	sld [smem:$0x3F9E]  }
0x2b: {  	s6 =	sld [smem:$0x3F9F]  }
0x2c: {  	s7 =	sld [smem:$0x3FA0]  }
0x2d: {  	s3 =	simm.s32 $0x108;
	s8 =	sld [smem:$0x3FA1]  }
0x2e: {  	s3 =	simm.s32 @!p0 $0x1082;
	s9 =	sld [smem:$0x3FA2]  }
0x2f: {  	lr =	sadd.s32 s0, s3;
	s0 =	sld [smem:$0x3F99]  }
0x30: {  	s3 =	sld [smem:$0x3F9C]  }
0x31: {  	[smem:$0x3FA5] =	sst s10  }
0x32: {  	s10 =	sld [smem:$0x3FA3];
	_ =	sdelay $0x3  }
0x33: {  	p0 =	seq.s32 s10, $0x1;
	s10 =	sld [smem:$0x3FA5];
	_ =	sdelay $0x3  }
0x34: {  	[smem:$0x3FA5] =	sst s10  }
0x35: {  	s10 =	sld [smem:$0x3FA4];
	_ =	sdelay $0x3  }
0x36: {  	p1 =	seq.s32 s10, $0x1;
	s10 =	sld [smem:$0x3FA5];
	_ =	sdelay $0x3  }
0x37: {  	[smem:$0x3FA5] =	sst s10  }
0x38: {  	s10 =	sld [smem:$0x3FA6]  }
0x39: {  	_ = 	snop;
	(pc) =	sbr.ind lr, $3  }
0x3a: {  	_ = 	snop  }
0x3b: {  	_ = 	snop  }
0x3c: {  	p2 =	seq.s32 s10, $0x1;
	s10 =	sld [smem:$0x3FA5]  }
0x3d: {  	_ =	shalt  }
0x3e: {  	_ =	shalt  }
0x3f: {  	_ =	shalt  }
0x40: {  	_ =	shalt  }
0x41: {  	_ =	shalt  }
0x42: {  	_ =	shalt  }
0x43: {  	_ =	shalt  }
0x44: {  	_ =	shalt  }
0x45: {  	_ =	shalt  }
0x46: {  	_ =	shalt  }
0x47: {  	_ =	shalt  }
0x48: {  	_ =	shalt  }
0x49: {  	_ =	shalt  }
0x4a: {  	_ =	shalt  }
0x4b: {  	_ =	shalt  }
0x4c: {  	_ =	shalt  }
0x4d: {  	_ =	shalt  }
0x4e: {  	_ =	shalt  }
0x4f: {  	_ =	shalt  }
0x50: {  	_ =	shalt  }
0x51: {  	_ =	shalt  }
0x52: {  	_ =	shalt  }
0x53: {  	_ =	shalt  }
0x54: {  	_ =	shalt  }
0x55: {  	_ =	shalt  }
0x56: {  	_ =	shalt  }
0x57: {  	_ =	shalt  }
0x58: {  	_ =	shalt  }
0x59: {  	_ =	shalt  }
0x5a: {  	_ =	shalt  }
0x5b: {  	_ =	shalt  }
0x5c: {  	_ =	shalt  }
0x5d: {  	_ =	shalt  }
0x5e: {  	_ =	shalt  }
0x5f: {  	_ =	shalt  }
0x60: {  	_ =	shalt  }
0x61: {  	_ =	shalt  }
0x62: {  	_ =	shalt  }
0x63: {  	_ =	shalt  }
0x64: {  	_ =	shalt  }
0x65: {  	_ =	shalt  }
0x66: {  	_ =	shalt  }
0x67: {  	_ =	shalt  }
0x68: {  	_ =	shalt  }
0x69: {  	_ =	shalt  }
0x6a: {  	_ =	shalt  }
0x6b: {  	_ =	shalt  }
0x6c: {  	_ =	shalt  }
0x6d: {  	_ =	shalt  }
0x6e: {  	_ =	shalt  }
0x6f: {  	_ =	shalt  }
0x70: {  	_ =	shalt  }
0x71: {  	_ =	shalt  }
0x72: {  	_ =	shalt  }
0x73: {  	_ =	shalt  }
0x74: {  	_ =	shalt  }
0x75: {  	_ =	shalt  }
0x76: {  	_ =	shalt  }
0x77: {  	_ =	shalt  }
0x78: {  	_ =	shalt  }
0x79: {  	_ =	shalt  }
0x7a: {  	_ =	shalt  }
0x7b: {  	_ =	shalt  }
0x7c: {  	_ =	shalt  }
0x7d: {  	_ =	shalt  }
0x7e: {  	_ =	shalt  }
0x7f: {  	_ =	shalt  }
0x80: {  	_ =	shalt  }
0x81: {  	_ =	shalt  }
0x82: {  	_ =	shalt  }
0x83: {  	_ =	shalt  }
0x84: {  	_ =	shalt  }
0x85: {  	_ =	shalt  }
0x86: {  	_ =	shalt  }
0x87: {  	_ =	shalt  }
.Lfunc_end0:
.L_simem_size_0:
called_computation_lowered:
.L_overlay_start_0:
0x88: {  	s2 =	sld [smem:$0x3FD9]  }
0x89: {  	s3 =	sld [smem:$0x3FFE];
	_ =	sdelay $0x1  }
0x8a: {  	s1 =	srdreg.scid  }
0x8b: {  	s0 =	sand.u32 $0x1, s1  }
0x8c: {  	s17 =	sshll.u32 s0, $0xA;
	s2 =	sadd.s32 s3, s2  }
0x8d: {  	s2 =	sadd.s32 s2, s17  }
0x8e: {  	[smem:$0x3FB1] =	sst s2  }
0x8f: {  	_ = 	snop  }
0x90: {  	s2 =	sld [smem:$0x3FD0];
	(tm) =	ssettm $0x1  }
0x91: {  	s18 =	sld [smem:$0x3FFB];
	_ =	sdelay $0x3  }
0x92: {  	_ =	strace s18  }
0x93: {  	s3 =	sld [smem:$0x3FFC];
	_ =	sdelay $0x3  }
0x94: {  	_ =	strace s3  }
0x95: {  	s3 =	sld [smem:$0x3FFD];
	_ =	sdelay $0x3  }
0x96: {  	_ =	strace s3  }
0x97: {  	_ =	strace $0x8FFFFFFF  }
0x98: {  	s19 =	sld [smem:$0x3FDB];
	_ =	sdelay $0x1  }
0x99: {  	s4 =	simm.s32 $_scs_section_size  }
0x9a: {  	s5 =	simm.s32 $_size__tile_overlayer_lowered;
	s6 =	simm.s32 $_tile_overlayer_lowered  }
0x9b: {  	s22 =	simm.s32 $0x1BFF;
	s21 =	sshll.u32 s6, $0x1;
	s3 =	sadd.s32 s4, s19  }
0x9c: {  	s7 =	simm.s32 $0x0;
	s20 =	sshll.u32 s5, $0x1;
	s5 =	sadd.s32 s21, s3  }
0x9d: {  	[timem:s7], [sflag:s22] =	dma.local [hbm:s5], s20  }
0x9e: {  	_ =	swait.ge [sflag:s22], s20  }
0x9f: {  	s4 =	ssub.s32 $0x0, s20;
	[sflag:s22] =	ssyncset.done $0x0  }
0xa0: {  	[sflag:s22] =	ssyncadd.s32 s4;
	_ =	sdelay $0x1  }
0xa1: {  	s23 =	simm.s32 $0x1B8B  }
0xa2: {  	_ =	swait.ge [sflag:s23], $0x1  }
0xa3: {  	[sflag:s23] =	ssyncset.done $0x0  }
0xa4: {  	s25 =	simm.s32 $0x1B8E;
	s24 =	sld [smem:$0x3FFE];
	[sflag:s23] =	ssyncadd.s32 $0xFFFFFFFF  }
0xa5: {  	s26 =	simm.s32 $execute0_lowered;
	[smem:$0x3FD2] =	sst s25  }
0xa6: {  	s5 =	sshll.u32 s26, $0x1;
	_ =	strace $0x80000046;
	[dreg:$0x1] =	wrdreg $0xFFFFFFFF  }
0xa7: {  	s28 =	simm.s32 $_size_execute0_lowered;
	s3 =	sadd.s32 s3, s5;
	[dreg:$0x0] =	wrdreg $0x0  }
0xa8: {  	s5 =	sshll.u32 s28, $0x1;
	[dreg:$0x2] =	wrdreg s3  }
0xa9: {  	[dreg:$0x3] =	wrdreg s5  }
0xaa: {  	[dreg:$0x4] =	wrdreg $0xC0  }
0xab: {  	_ =	task [dreg:s7], $0x5FFFF  }
0xac: {  	[dreg:$0x1] =	wrdreg $0xFFFFFFFF  }
0xad: {  	[dreg:$0x0] =	wrdreg $0x60  }
0xae: {  	[dreg:$0x2] =	wrdreg s2  }
0xaf: {  	[dreg:$0x3] =	wrdreg s24  }
0xb0: {  	[dreg:$0x4] =	wrdreg $0x9  }
0xb1: {  	_ =	task.clear_ibuf [dreg:s7], $0x5FFFF;
	_ =	strace $0x90000046  }
0xb2: {  	s29 =	simm.s32 $0x9;
	_ =	strace $0x80000048  }
0xb3: {  	_ =	swait.ge [sflag:s29], $0x1  }
0xb4: {  	[sflag:s29] =	ssyncadd.s32 $0xFFFFFFFF  }
0xb5: {  	_ =	strace $0x90000048  }
0xb6: {  	_ =	sfence  }
0xb7: {  	s30 =	sld [smem:$0x0];
	_ =	sdelay $0x2  }
0xb8: {  	s31 =	sshll.u32 s1, $0xD;
	s1 =	sshrl.u32 s1, $0x2  }
0xb9: {  	s3 =	sand.u32 $0x4000, s31;
	s1 =	sadd.s32 s1, s30  }
0xba: {  	s0 =	sor.u32 s3, s0;
	s1 =	sshll.u32 s1, $0x11  }
0xbb: {  	s0 =	sor.u32 s1, s0  }
0xbc: {  	s0 =	sadd.s32 $0x8F2B, s0  }
0xbd: {  	[sflag:s0] =	ssyncadd.remote.s32 $0x1  }
0xbe: {  	_ =	sfence.sel $0xFFFF  }
0xbf: {  	[dreg:$0x0] =	wrdreg $0xFFFFFFFF;
	(pc) =	sbr.abs _section_cstart, $3  }
0xc0: {  	[dreg:$0x1] =	wrdreg $0xFFFFFFFF  }
0xc1: {  	_ =	task.clear_ibuf [dreg:s7], $0x2FFFF;
	_ =	strace $0x9FFFFFFF  }
0xc2: {  	(tm) =	ssettm $0x7FFFFFFF  }
0xc3: {  	_ =	shalt  }
tec
execute0_lowered:
.L_overlay_start_1:
0x0: {  	(tag) =	ssettag $0x1  }
0x1: {  	s2 =	rddreg [dreg:$0x0]  }
0x2: {  	s8 =	rddreg [dreg:$0x1]  }
0x3: {  	s0 =	rddreg [dreg:$0x2];
	s4 =	srdreg.scid  }
0x4: {  	s1 =	stileid.u32;
	s3 =	simm.s32 $0x0;
	s13 =	simm.s32 $0xC8  }
0x5: {  	s14 =	simm.s32 $0x1;
	s15 =	simm.s32 $0x400;
	s16 =	simm.s32 $0x500  }
0x6: {  	s17 =	simm.s32 $0x2;
	s18 =	simm.s32 $0x600;
	s19 =	simm.s32 $0x6A00  }
0x7: {  	s20 =	simm.s32 $0xCE00;
	s9 =	sand.u32 $0x1, s4;
	s31 =	sshll.u32 s1, $0x1  }
0x8: {  	s21 =	simm.s32 $0x3;
	s22 =	simm.s32 $0x0;
	s5 =	sor.u32 s9, s31  }
0x9: {  	[smem:$0x7FF] =	sst s3;
	s4 =	sadd.s32 $0x2B800, s8;
	s5 =	smul.u32 $0x4E20, s5  }
0xa: {  	s6 =	sadd.s32 $0x17E00, s8;
	s7 =	sadd.s32 $0x4400, s8;
	s9 =	ssub.s32 $0x2, s9  }
0xb: {  	s8 =	sadd.s32 $0x30800, s8;
	s10 =	sshrl.u32 s9, $0x1;
	s11 =	sshrl.u32 s5, $0x3  }
0xc: {  	_ =	strace $0x80000047;
	s12 =	ssub.s32 s9, s10;
	s9 =	sadd.s32 s6, s11  }
0xd: {  	s10 =	sadd.s32 s7, s11;
	s11 =	smax.u32 s12, $0x1;
	s12 =	simm.s32 $0x200  }
.LBB2_1:
0xe: {  	[tilespmem:s3], [sflag:$0x1] =	stream.linear.gather [hbm4b:s9+s3], $0xC8, $0x38;
	[tilespmem:$0x13200] =	vst v63  }
0xf: {  	s23 =	simm.s32 $0x0  }
0x10: {  	[tilespmem:s12], [sflag:$0x1] =	stream.linear.gather [hbm4b:s10+s3], $0xC8, $0x38;
	[tilespmem:$0x13200] =	vst v63  }
.LBB2_2:
0x11: {  	_ =	swait.ge [sflag:s14], $0xC8  }
0x12: {  	[sflag:s14] =	ssyncset.done $0x0  }
0x13: {  	[sflag:s14] =	ssyncadd.s32 $0xFFFFFF38  }
0x14: {  	s25 =	smov.u32 s23;
	s31 =	sand.u32 $0x1, s23;
	_ =	swait.ge [sflag:s14], $0xC8  }
0x15: {  	s23 =	simm.s32 $0xC8;
	p0 =	seq.s32 s31, $0x1;
	[sflag:s14] =	ssyncset.done $0x0  }
0x16: {  	s23 =	simm.s32 @!p0 $0x0;
	[sflag:s14] =	ssyncadd.s32 $0xFFFFFF38  }
0x17: {  	[tilespmem:s15], [sflag:$0x2] =	stream.indirect.gather [hbm4b:s4+s13], $0x1, s23, s13, $0xb8;
	[tilespmem:$0x13200] =	vst v63  }
0x18: {  	s23 =	sor.u32 $0x200, s23  }
0x19: {  	[tilespmem:s16], [sflag:$0x2] =	stream.indirect.gather [hbm4b:s4+s13], $0x1, s23, s13, $0xb8;
	[tilespmem:$0x13200] =	vst v63  }
0x1a: {  	p0 =	seq.s32 s25, $0x63;
	s23 =	sadd.s32 $0x1, s25  }
0x1b: {  	s24 =	smul.u32 @!p0 $0xC8, s23  }
0x1c: {  	s26 =	sand.u32 @!p0 $0x1, s23  }
0x1d: {  	p1 =	seq.s32 @!p0 s26, $0x1;
	s24 =	sadd.s32 @!p0 s5, s24  }
0x1e: {  	s26 =	simm.s32 @!p0 $0xC8;
	p1 =	por !p1, p0;
	s24 =	sshrl.u32 @!p0 s24, $0x3  }
0x1f: {  	s29 =	simm.s32 @!p0 $0x0;
	s26 =	simm.s32 @p1 $0x0;
	s28 =	sadd.s32 @!p0 s6, s24  }
0x20: {  	[tilespmem:s26], [sflag:$0x1] =	stream.linear.gather @!p0 [hbm4b:s28+s29], $0xC8, $0x38;
	[tilespmem:$0x13200] =	vst v63  }
0x21: {  	s24 =	sadd.s32 @!p0 s7, s24;
	s26 =	sor.u32 @!p0 $0x200, s26  }
0x22: {  	[tilespmem:s26], [sflag:$0x1] =	stream.linear.gather @!p0 [hbm4b:s24+s29], $0xC8, $0x38;
	[tilespmem:$0x13200] =	vst v63  }
0x23: {  	_ =	swait.ge [sflag:s17], $0xC8  }
0x24: {  	[sflag:s17] =	ssyncset.done $0x0  }
0x25: {  	[sflag:s17] =	ssyncadd.s32 $0xFFFFFF38  }
0x26: {  	_ =	swait.ge [sflag:s17], $0xC8  }
0x27: {  	[sflag:s17] =	ssyncset.done $0x0  }
0x28: {  	[sflag:s17] =	ssyncadd.s32 $0xFFFFFF38  }
0x29: {  	[tilespmem:s18], [sflag:$0x2] =	stream.indirect.gather [hbm4b:s2+s13], $0x80, s15, s13, $0xb8;
	[tilespmem:$0x13200] =	vst v63  }
0x2a: {  	_ = 	snop  }
0x2b: {  	[tilespmem:s19], [sflag:$0x2] =	stream.indirect.gather [hbm4b:s2+s13], $0x80, s16, s13, $0xb8;
	[tilespmem:$0x13200] =	vst v63  }
0x2c: {  	_ =	swait.ge [sflag:s17], $0x6400  }
0x2d: {  	[sflag:s17] =	ssyncset.done $0x0  }
0x2e: {  	[sflag:s17] =	ssyncadd.s32 $0xFFFF9C00  }
0x2f: {  	_ =	swait.ge [sflag:s17], $0x6400  }
0x30: {  	[sflag:s17] =	ssyncset.done $0x0  }
0x31: {  	s24 =	simm.s32 $0x0;
	[sflag:s17] =	ssyncadd.s32 $0xFFFF9C00  }
0x32: {  	v0 =	vld [tilespmem:s24+$0x6A20]  }
0x33: {  	s25 =	smul.u32 $0xC8, s25;
	v1 =	vld [tilespmem:s24+$0x600]  }
0x34: {  	v2 =	vld [tilespmem:s24+$0x620]  }
0x35: {  	s25 =	sadd.s32 s5, s25;
	s26 =	simm.s32 $0x200;
	v3 =	vld [tilespmem:s24+$0x6A10]  }
.LBB2_3:
0x36: {  	p0 =	sne.s32 s26, $0x18E00  }
.Ltmp0:
0x37: {  	s28 =	sshra.s32 s26, $0x2;
	s26 =	sadd.s32 $0x200, s26;
	[tilespmem:s24+$0xCE30] =	vst v0;
	(pc) =	sbr.rel @p0 .LBB2_3-.Ltmp0, $4  }
0x38: {  	v0 =	vld [tilespmem:s28+$0x6A20];
	[tilespmem:s24+$0xCE00] =	vst v1  }
0x39: {  	v1 =	vld [tilespmem:s28+$0x600];
	[tilespmem:s24+$0xCE20] =	vst v2  }
0x3a: {  	v2 =	vld [tilespmem:s28+$0x620];
	[tilespmem:s24+$0xCE10] =	vst v3;
	s24 =	smov.u32 s28  }
0x3b: {  	v3 =	vld [tilespmem:s24+$0x6A10]  }
0x3c: {  	_ = 	snop  }
0x3d: {  	[tilespmem:s24+$0xCE30] =	vst v0  }
0x3e: {  	[tilespmem:s24+$0xCE00] =	vst v1  }
0x3f: {  	s25 =	sshll.u32 s25, $0x4;
	p0 =	sne.s32 s23, $0x64;
	[tilespmem:s24+$0xCE20] =	vst v2  }
.Ltmp1:
0x40: {  	s31 =	sadd.s32 s8, s25;
	[tilespmem:s24+$0xCE10] =	vst v3;
	(pc) =	sbr.rel @p0 .LBB2_2-.Ltmp1, $4  }
0x41: {  	[hbm4b:s31+s3] =	stream.linear.scatter [tilespmem:s20], [sflag:$0x3], $0x6400, $0x38;
	[tilespmem:$0x13200] =	vst v63  }
0x42: {  	_ =	swait.ge [sflag:s21], $0x6400  }
0x43: {  	[sflag:s21] =	ssyncset.done $0x0  }
0x44: {  	[sflag:s21] =	ssyncadd.s32 $0xFFFF9C00  }
0x45: {  	s22 =	sadd.s32 $0x1, s22  }
0x46: {  	p0 =	sne.s32 s22, s11  }
.Ltmp2:
0x47: {  	_ = 	snop;
	(pc) =	sbr.rel @p0 .LBB2_1-.Ltmp2, $1  }
0x48: {  	_ =	sdelay $0x3  }
0x49: {  	_ =	sfence.sel $0x180000  }
0x4a: {  	[bflag:$0x0] =	sbarrier.arrive $0xFFFF  }
0x4b: {  	p0 =	sne.s32 s1, $0x0;
	_ =	strace $0x90000047  }
0x4c: {  	s0 =	sadd.s32 @!p0 $0x100000, s0;
	[bflag:$0x2] =	sbarrier.arrive $0xFFFF  }
0x4d: {  	[sflag:s0] =	ssyncadd.tile.s32 @!p0 $0x1;
	_ =	shalt  }
.Lfunc_end2:
_tile_overlayer_lowered:
.L_overlay_start_2:
0x4e: {  	(tag) =	ssettag $0x2  }
0x4f: {  	s0 =	rddreg [dreg:$0x0];
	s2 =	stileid.u32  }
0x50: {  	s1 =	rddreg [dreg:$0x1];
	p0 =	sne.s32 s2, $0x0  }
0x51: {  	s3 =	rddreg [dreg:$0x2];
	[bflag:$0x3] =	sbarrier.arrive $0xFFFF;
	s2 =	simm.s32 @!p0 $0x1C03  }
0x52: {  	[timem:s3], [sflag:s2] =	dma.local @!p0 [hbm:s0], s1  }
0x53: {  	s0 =	simm.s32 @!p0 $0x3  }
0x54: {  	_ =	swait.ge @!p0 [sflag:s0], s1  }
0x55: {  	s1 =	ssub.s32 @!p0 $0x0, s1;
	[sflag:s0] =	ssyncset.done @!p0 $0x0  }
0x56: {  	[sflag:s0] =	ssyncadd.s32 @!p0 s1  }
0x57: {  	[bflag:$0x3] =	sbarrier.arrive $0xFFFF  }
0x58: {  	_ =	shalt  }

</sc_bundles>
